<compile_context>
chip_gen: v7x
topology: tpu7x:2x2x1
jax: 0.10.2.dev20260603
libtpu: 0.0.44.dev20260713+nightly
codegen_flags: <defaults>
</compile_context>

<pallas_src>
import functools

import jax
import jax.numpy as jnp
from jax import lax
from jax.experimental import pallas as pl
from jax.experimental.pallas import tpu as pltpu
from jax.experimental.pallas import tpu_sc as plsc

HIDDEN = 32
LANES = 16
CHUNK = 128


@functools.lru_cache(maxsize=None)
def _gmf_sc(batch):
  info = plsc.get_sparse_core_info()
  nc, ns = info.num_cores, info.num_subcores
  nw = nc * ns
  b_per_w = batch // nw
  n_chunks = b_per_w // CHUNK
  assert batch % (nw * CHUNK) == 0

  mesh = plsc.VectorSubcoreMesh(core_axis_name="c", subcore_axis_name="s")

  @functools.partial(
      pl.kernel,
      mesh=mesh,
      compiler_params=pltpu.CompilerParams(
          needs_layout_passes=False, use_tc_tiling_on_sc=True),
      out_type=jax.ShapeDtypeStruct((batch,), jnp.float32),
      scratch_types=[
          pltpu.VMEM((CHUNK,), jnp.int32),
          pltpu.VMEM((CHUNK,), jnp.int32),
          pltpu.VMEM((CHUNK, HIDDEN), jnp.float32),
          pltpu.VMEM((CHUNK, HIDDEN), jnp.float32),
          pltpu.VMEM((3, LANES), jnp.float32),
          pltpu.VMEM((b_per_w,), jnp.float32),
          pltpu.SemaphoreType.DMA,
          pltpu.SemaphoreType.DMA,
      ],
  )
  def k(user_hbm, food_hbm, ut_hbm, ft_hbm, wb_hbm, out_hbm,
        idx_u, idx_f, u_rows, f_rows, wb_v, out_v, sem_u, sem_f):
    wid = lax.axis_index("s") * nc + lax.axis_index("c")
    base = wid * b_per_w

    pltpu.sync_copy(wb_hbm, wb_v)
    w_lo = wb_v[0, :]
    w_hi = wb_v[1, :]
    b16 = wb_v[2, :]
    lane = lax.iota(jnp.int32, LANES)

    def chunk_body(c, carry):
      c0 = base + c * CHUNK
      pltpu.sync_copy(user_hbm.at[pl.ds(c0, CHUNK)], idx_u)
      pltpu.sync_copy(food_hbm.at[pl.ds(c0, CHUNK)], idx_f)

      def issue_body(it, icarry):
        r0 = it * LANES
        vu = idx_u[pl.ds(r0, LANES)]
        vf = idx_f[pl.ds(r0, LANES)]
        for q in range(LANES):
          r = r0 + q
          pltpu.async_copy(
              ut_hbm.at[pl.ds(vu[q], 1)], u_rows.at[pl.ds(r, 1)], sem_u)
          pltpu.async_copy(
              ft_hbm.at[pl.ds(vf[q], 1)], f_rows.at[pl.ds(r, 1)], sem_f)
        return icarry

      lax.fori_loop(0, CHUNK // LANES, issue_body, 0)
      pltpu.make_async_copy(ut_hbm.at[pl.ds(0, CHUNK)], u_rows, sem_u).wait()
      pltpu.make_async_copy(ft_hbm.at[pl.ds(0, CHUNK)], f_rows, sem_f).wait()

      def group_body(g, gcarry):
        i0 = g * LANES
        acc = jnp.zeros((LANES,), jnp.float32)
        for r in range(LANES):
          i = i0 + r
          uv0 = u_rows[i, pl.ds(0, LANES)]
          uv1 = u_rows[i, pl.ds(LANES, LANES)]
          fv0 = f_rows[i, pl.ds(0, LANES)]
          fv1 = f_rows[i, pl.ds(LANES, LANES)]
          p = uv0 * fv0 * w_lo + uv1 * fv1 * w_hi + b16
          s = lax.reduce_sum(p, axes=(0,))
          acc = jnp.where(lane == r, s, acc)
        out_v[pl.ds(c * CHUNK + i0, LANES)] = acc
        return gcarry

      lax.fori_loop(0, CHUNK // LANES, group_body, 0)
      return carry

    lax.fori_loop(0, n_chunks, chunk_body, 0)

    pltpu.sync_copy(out_v, out_hbm.at[pl.ds(base, b_per_w)])

  return k


def kernel(user, food, user_table, food_table, fc1_w, fc1_b):
  batch = user.shape[0]
  w = fc1_w.reshape(-1).astype(jnp.float32)
  wb = jnp.stack([
      w[:LANES],
      w[LANES:],
      jnp.broadcast_to(fc1_b.astype(jnp.float32) / LANES, (LANES,)),
  ])
  return _gmf_sc(batch)(
      user.astype(jnp.int32), food.astype(jnp.int32),
      user_table, food_table, wb)

# --- scband reference (transcript-rebuilt; emitter-appended) ---
"""Pipeline reference for scband-gmf-41781441856131 (READ-ONLY COPY).

The authoritative reference and input builder live on the scoring server;
editing this copy changes nothing except your own understanding.
"""

import jax, jax.numpy as jnp
import numpy as np

USER_SIZE = 1000000
FOOD_SIZE = 1000000
HIDDEN = 32
BATCH = 16384

def setup_inputs(seed: int = 0) -> dict:
    key = jax.random.key(seed)
    k1, k2, k3, k4, k5, k6 = jax.random.split(key, 6)
    user = jax.random.randint(k1, (BATCH,), 0, USER_SIZE, dtype=jnp.int64) if jax.config.jax_enable_x64 else jax.random.randint(k1, (BATCH,), 0, USER_SIZE).astype(jnp.int32)
    food = jax.random.randint(k2, (BATCH,), 0, FOOD_SIZE).astype(user.dtype)
    user_table = jax.random.normal(k3, (USER_SIZE, HIDDEN), dtype=jnp.float32)
    food_table = jax.random.normal(k4, (FOOD_SIZE, HIDDEN), dtype=jnp.float32)
    # padding_idx=0 rows are zero in torch nn.Embedding
    user_table = user_table.at[0].set(0.0)
    food_table = food_table.at[0].set(0.0)
    fc1_w = jax.random.normal(k5, (1, HIDDEN), dtype=jnp.float32) * (1.0 / np.sqrt(HIDDEN))
    fc1_b = jax.random.normal(k6, (1,), dtype=jnp.float32) * 0.01
    return {"user": user, "food": food, "user_table": user_table, "food_table": food_table, "fc1_w": fc1_w, "fc1_b": fc1_b}

def reference(user, food, user_table, food_table, fc1_w, fc1_b):
    # u = self.user_embed(user); f = self.food_embed(food)
    u = jnp.take(user_table, user, axis=0)   # [B, H]
    f = jnp.take(food_table, food, axis=0)   # [B, H]
    # F.dropout(u * f, 0.3) -> identity in deterministic/eval reference
    product = u * f
    # x = self.fc1(product); output = x.squeeze()
    x = product @ fc1_w.T + fc1_b            # [B, 1]
    output = jnp.squeeze(x, axis=-1)          # [B]
    return output

if __name__ == "__main__":
    import jax
    _d = setup_inputs()
    print(jax.jit(kernel)(*tuple(_d.values())))

</pallas_src>

<mosaic_0001>
#map = affine_map<(d0, d1) -> (0)>
#map1 = affine_map<(d0, d1) -> (0, 0)>
module attributes {stable_mosaic.version = 14 : i64} {
  func.func @k(%arg0: i32, %arg1: i32, %arg2: memref<16384xi32, #tpu.memory_space<hbm>>, %arg3: memref<16384xi32, #tpu.memory_space<hbm>>, %arg4: memref<1000000x32xf32, #tpu.memory_space<hbm>>, %arg5: memref<1000000x32xf32, #tpu.memory_space<hbm>>, %arg6: memref<3x16xf32, #tpu.memory_space<hbm>>, %arg7: memref<16384xf32, #tpu.memory_space<hbm>>, %arg8: memref<128xi32, #tpu.memory_space<vmem>>, %arg9: memref<128xi32, #tpu.memory_space<vmem>>, %arg10: memref<128x32xf32, #tpu.memory_space<vmem>>, %arg11: memref<128x32xf32, #tpu.memory_space<vmem>>, %arg12: memref<3x16xf32, #tpu.memory_space<vmem>>, %arg13: memref<512xf32, #tpu.memory_space<vmem>>, %arg14: memref<!tpu.dma_semaphore, #tpu.memory_space<semaphore_mem>>, %arg15: memref<!tpu.dma_semaphore, #tpu.memory_space<semaphore_mem>>) attributes {dimension_semantics = [#tpu.dimension_semantics<core_parallel>, #tpu.dimension_semantics<subcore_parallel>], iteration_bounds = array<i64: 2, 16>, scalar_prefetch = 0 : i64, scratch_operands = 8 : i64, tpu.core_type = #tpu.core_type<sc_vector_subcore>, window_params = [{transform_indices = #map}, {transform_indices = #map}, {transform_indices = #map1}, {transform_indices = #map1}, {transform_indices = #map1}, {transform_indices = #map}]} {
    %mul3A = arith.constant 2 : i32
    %mul3A_0 = arith.muli %arg1, %mul3A : i32
    %add3A = arith.addi %mul3A_0, %arg0 : i32
    %mul3A_1 = arith.constant 512 : i32
    %mul3A_2 = arith.muli %add3A, %mul3A_1 : i32
    "tpu.region"() ({
      %run_scoped3A = tpu.sem_alloc : memref<!tpu.dma_semaphore, #tpu.memory_space<semaphore_mem>>
      tpu.enqueue_dma source(%arg6 : memref<3x16xf32, #tpu.memory_space<hbm>>) target(%arg12 : memref<3x16xf32, #tpu.memory_space<vmem>>) target_semaphore(%run_scoped3A : memref<!tpu.dma_semaphore, #tpu.memory_space<semaphore_mem>>)
      tpu.wait_dma2 semaphore(%run_scoped3A : memref<!tpu.dma_semaphore, #tpu.memory_space<semaphore_mem>>) src(%arg6 : memref<3x16xf32, #tpu.memory_space<hbm>>) dst(%arg12 : memref<3x16xf32, #tpu.memory_space<vmem>>)
      tpu.yield
    }) : () -> ()
    %get3A = arith.constant 0 : i32
    %get3A_3 = arith.index_cast %get3A : i32 to index
    %get3A_4 = arith.constant 0 : index
    %get3A_5 = tpu.vector_load %arg12[%get3A_3, %get3A_4] {strides = array<i32>} : memref<3x16xf32, #tpu.memory_space<vmem>>, vector<16xf32>,
    %get3A_6 = arith.constant 1 : i32
    %get3A_7 = arith.index_cast %get3A_6 : i32 to index
    %get3A_8 = arith.constant 0 : index
    %get3A_9 = tpu.vector_load %arg12[%get3A_7, %get3A_8] {strides = array<i32>} : memref<3x16xf32, #tpu.memory_space<vmem>>, vector<16xf32>,
    %get3A_10 = arith.constant 2 : i32
    %get3A_11 = arith.index_cast %get3A_10 : i32 to index
    %get3A_12 = arith.constant 0 : index
    %get3A_13 = tpu.vector_load %arg12[%get3A_11, %get3A_12] {strides = array<i32>} : memref<3x16xf32, #tpu.memory_space<vmem>>, vector<16xf32>,
    %iota3A = tpu.iota {dimensions = array<i32: 0>} : vector<16xi32>
    %scan3A = arith.constant 0 : i32
    %scan3A_14 = arith.constant 0 : i32
    %scan3A_15 = arith.constant 4 : i32
    %scan3A_16 = arith.addi %scan3A_14, %scan3A_15 : i32
    %scan3A_17 = arith.constant 1 : i32
    scf.for %scan3A_19 = %scan3A_14 to %scan3A_16 step %scan3A_17  : i32 {
      %mul3A_20 = arith.constant 128 : i32
      %mul3A_21 = arith.muli %scan3A_19, %mul3A_20 : i32
      %add3A_22 = arith.addi %mul3A_2, %mul3A_21 : i32
      "tpu.region"() ({
        %run_scoped3A = tpu.sem_alloc : memref<!tpu.dma_semaphore, #tpu.memory_space<semaphore_mem>>
        %dma_start3A = tpu.memref_slice %arg2[%add3A_22] : memref<16384xi32, #tpu.memory_space<hbm>> -> memref<128xi32, #tpu.memory_space<hbm>>
        %dma_start3A_46 = tpu.memref_slice %arg2[%add3A_22] : memref<16384xi32, #tpu.memory_space<hbm>> -> memref<128xi32, #tpu.memory_space<hbm>>
        tpu.enqueue_dma source(%dma_start3A_46 : memref<128xi32, #tpu.memory_space<hbm>>) target(%arg8 : memref<128xi32, #tpu.memory_space<vmem>>) target_semaphore(%run_scoped3A : memref<!tpu.dma_semaphore, #tpu.memory_space<semaphore_mem>>)
        %dma_wait3A_47 = tpu.memref_slice %arg2[%add3A_22] : memref<16384xi32, #tpu.memory_space<hbm>> -> memref<128xi32, #tpu.memory_space<hbm>>
        %dma_wait3A_48 = tpu.memref_slice %arg2[%add3A_22] : memref<16384xi32, #tpu.memory_space<hbm>> -> memref<128xi32, #tpu.memory_space<hbm>>
        tpu.wait_dma2 semaphore(%run_scoped3A : memref<!tpu.dma_semaphore, #tpu.memory_space<semaphore_mem>>) src(%dma_wait3A_48 : memref<128xi32, #tpu.memory_space<hbm>>) dst(%arg8 : memref<128xi32, #tpu.memory_space<vmem>>)
        tpu.yield
      }) : () -> ()
      "tpu.region"() ({
        %run_scoped3A = tpu.sem_alloc : memref<!tpu.dma_semaphore, #tpu.memory_space<semaphore_mem>>
        %dma_start3A = tpu.memref_slice %arg3[%add3A_22] : memref<16384xi32, #tpu.memory_space<hbm>> -> memref<128xi32, #tpu.memory_space<hbm>>
        %dma_start3A_46 = tpu.memref_slice %arg3[%add3A_22] : memref<16384xi32, #tpu.memory_space<hbm>> -> memref<128xi32, #tpu.memory_space<hbm>>
        tpu.enqueue_dma source(%dma_start3A_46 : memref<128xi32, #tpu.memory_space<hbm>>) target(%arg9 : memref<128xi32, #tpu.memory_space<vmem>>) target_semaphore(%run_scoped3A : memref<!tpu.dma_semaphore, #tpu.memory_space<semaphore_mem>>)
        %dma_wait3A_47 = tpu.memref_slice %arg3[%add3A_22] : memref<16384xi32, #tpu.memory_space<hbm>> -> memref<128xi32, #tpu.memory_space<hbm>>
        %dma_wait3A_48 = tpu.memref_slice %arg3[%add3A_22] : memref<16384xi32, #tpu.memory_space<hbm>> -> memref<128xi32, #tpu.memory_space<hbm>>
        tpu.wait_dma2 semaphore(%run_scoped3A : memref<!tpu.dma_semaphore, #tpu.memory_space<semaphore_mem>>) src(%dma_wait3A_48 : memref<128xi32, #tpu.memory_space<hbm>>) dst(%arg9 : memref<128xi32, #tpu.memory_space<vmem>>)
        tpu.yield
      }) : () -> ()
      %scan3A_23 = arith.constant 0 : i32
      %scan3A_24 = arith.constant 0 : i32
      %scan3A_25 = arith.constant 8 : i32
      %scan3A_26 = arith.addi %scan3A_24, %scan3A_25 : i32
      %scan3A_27 = arith.constant 1 : i32
      scf.for %scan3A_46 = %scan3A_24 to %scan3A_26 step %scan3A_27  : i32 {
        %mul3A_47 = arith.constant 16 : i32
        %mul3A_48 = arith.muli %scan3A_46, %mul3A_47 : i32
        %get3A_49 = arith.index_cast %mul3A_48 : i32 to index
        %get3A_50 = tpu.vector_load %arg8[%get3A_49] {strides = array<i32>} : memref<128xi32, #tpu.memory_space<vmem>>, vector<16xi32>,
        %get3A_51 = arith.index_cast %mul3A_48 : i32 to index
        %get3A_52 = tpu.vector_load %arg9[%get3A_51] {strides = array<i32>} : memref<128xi32, #tpu.memory_space<vmem>>, vector<16xi32>,
        %add3A_53 = arith.constant 0 : i32
        %add3A_54 = arith.addi %mul3A_48, %add3A_53 : i32
        %slice3A = vector.extract_strided_slice %get3A_50 {offsets = [0], sizes = [1], strides = [1]} : vector<16xi32> to vector<1xi32>
        %squeeze3A = vector.extract %slice3A[0] : i32 from vector<1xi32>
        %dma_start3A = arith.constant 0 : i32
        %dma_start3A_55 = tpu.memref_slice %arg10[%add3A_54, %dma_start3A] : memref<128x32xf32, #tpu.memory_space<vmem>> -> memref<1x32xf32, #tpu.memory_space<vmem>>
        %dma_start3A_56 = arith.constant 0 : i32
        %dma_start3A_57 = tpu.memref_slice %arg4[%squeeze3A, %dma_start3A_56] : memref<1000000x32xf32, #tpu.memory_space<hbm>> -> memref<1x32xf32, #tpu.memory_space<hbm>>
        %dma_start3A_58 = arith.constant 0 : i32
        %dma_start3A_59 = tpu.memref_slice %arg10[%add3A_54, %dma_start3A_58] : memref<128x32xf32, #tpu.memory_space<vmem>> -> memref<1x32xf32, #tpu.memory_space<vmem>>
        %dma_start3A_60 = arith.constant 0 : i32
        %dma_start3A_61 = tpu.memref_slice %arg4[%squeeze3A, %dma_start3A_60] : memref<1000000x32xf32, #tpu.memory_space<hbm>> -> memref<1x32xf32, #tpu.memory_space<hbm>>
        tpu.enqueue_dma source(%dma_start3A_61 : memref<1x32xf32, #tpu.memory_space<hbm>>) target(%dma_start3A_59 : memref<1x32xf32, #tpu.memory_space<vmem>>) target_semaphore(%arg14 : memref<!tpu.dma_semaphore, #tpu.memory_space<semaphore_mem>>)
        %slice3A_62 = vector.extract_strided_slice %get3A_52 {offsets = [0], sizes = [1], strides = [1]} : vector<16xi32> to vector<1xi32>
        %squeeze3A_63 = vector.extract %slice3A_62[0] : i32 from vector<1xi32>
        %dma_start3A_64 = arith.constant 0 : i32
        %dma_start3A_65 = tpu.memref_slice %arg11[%add3A_54, %dma_start3A_64] : memref<128x32xf32, #tpu.memory_space<vmem>> -> memref<1x32xf32, #tpu.memory_space<vmem>>
        %dma_start3A_66 = arith.constant 0 : i32
        %dma_start3A_67 = tpu.memref_slice %arg5[%squeeze3A_63, %dma_start3A_66] : memref<1000000x32xf32, #tpu.memory_space<hbm>> -> memref<1x32xf32, #tpu.memory_space<hbm>>
        %dma_start3A_68 = arith.constant 0 : i32
        %dma_start3A_69 = tpu.memref_slice %arg11[%add3A_54, %dma_start3A_68] : memref<128x32xf32, #tpu.memory_space<vmem>> -> memref<1x32xf32, #tpu.memory_space<vmem>>
        %dma_start3A_70 = arith.constant 0 : i32
        %dma_start3A_71 = tpu.memref_slice %arg5[%squeeze3A_63, %dma_start3A_70] : memref<1000000x32xf32, #tpu.memory_space<hbm>> -> memref<1x32xf32, #tpu.memory_space<hbm>>
        tpu.enqueue_dma source(%dma_start3A_71 : memref<1x32xf32, #tpu.memory_space<hbm>>) target(%dma_start3A_69 : memref<1x32xf32, #tpu.memory_space<vmem>>) target_semaphore(%arg15 : memref<!tpu.dma_semaphore, #tpu.memory_space<semaphore_mem>>)
        %add3A_72 = arith.constant 1 : i32
        %add3A_73 = arith.addi %mul3A_48, %add3A_72 : i32
        %slice3A_74 = vector.extract_strided_slice %get3A_50 {offsets = [1], sizes = [1], strides = [1]} : vector<16xi32> to vector<1xi32>
        %squeeze3A_75 = vector.extract %slice3A_74[0] : i32 from vector<1xi32>
        %dma_start3A_76 = arith.constant 0 : i32
        %dma_start3A_77 = tpu.memref_slice %arg10[%add3A_73, %dma_start3A_76] : memref<128x32xf32, #tpu.memory_space<vmem>> -> memref<1x32xf32, #tpu.memory_space<vmem>>
        %dma_start3A_78 = arith.constant 0 : i32
        %dma_start3A_79 = tpu.memref_slice %arg4[%squeeze3A_75, %dma_start3A_78] : memref<1000000x32xf32, #tpu.memory_space<hbm>> -> memref<1x32xf32, #tpu.memory_space<hbm>>
        %dma_start3A_80 = arith.constant 0 : i32
        %dma_start3A_81 = tpu.memref_slice %arg10[%add3A_73, %dma_start3A_80] : memref<128x32xf32, #tpu.memory_space<vmem>> -> memref<1x32xf32, #tpu.memory_space<vmem>>
        %dma_start3A_82 = arith.constant 0 : i32
        %dma_start3A_83 = tpu.memref_slice %arg4[%squeeze3A_75, %dma_start3A_82] : memref<1000000x32xf32, #tpu.memory_space<hbm>> -> memref<1x32xf32, #tpu.memory_space<hbm>>
        tpu.enqueue_dma source(%dma_start3A_83 : memref<1x32xf32, #tpu.memory_space<hbm>>) target(%dma_start3A_81 : memref<1x32xf32, #tpu.memory_space<vmem>>) target_semaphore(%arg14 : memref<!tpu.dma_semaphore, #tpu.memory_space<semaphore_mem>>)
        %slice3A_84 = vector.extract_strided_slice %get3A_52 {offsets = [1], sizes = [1], strides = [1]} : vector<16xi32> to vector<1xi32>
        %squeeze3A_85 = vector.extract %slice3A_84[0] : i32 from vector<1xi32>
        %dma_start3A_86 = arith.constant 0 : i32
        %dma_start3A_87 = tpu.memref_slice %arg11[%add3A_73, %dma_start3A_86] : memref<128x32xf32, #tpu.memory_space<vmem>> -> memref<1x32xf32, #tpu.memory_space<vmem>>
        %dma_start3A_88 = arith.constant 0 : i32
        %dma_start3A_89 = tpu.memref_slice %arg5[%squeeze3A_85, %dma_start3A_88] : memref<1000000x32xf32, #tpu.memory_space<hbm>> -> memref<1x32xf32, #tpu.memory_space<hbm>>
        %dma_start3A_90 = arith.constant 0 : i32
        %dma_start3A_91 = tpu.memref_slice %arg11[%add3A_73, %dma_start3A_90] : memref<128x32xf32, #tpu.memory_space<vmem>> -> memref<1x32xf32, #tpu.memory_space<vmem>>
        %dma_start3A_92 = arith.constant 0 : i32
        %dma_start3A_93 = tpu.memref_slice %arg5[%squeeze3A_85, %dma_start3A_92] : memref<1000000x32xf32, #tpu.memory_space<hbm>> -> memref<1x32xf32, #tpu.memory_space<hbm>>
        tpu.enqueue_dma source(%dma_start3A_93 : memref<1x32xf32, #tpu.memory_space<hbm>>) target(%dma_start3A_91 : memref<1x32xf32, #tpu.memory_space<vmem>>) target_semaphore(%arg15 : memref<!tpu.dma_semaphore, #tpu.memory_space<semaphore_mem>>)
        %add3A_94 = arith.constant 2 : i32
        %add3A_95 = arith.addi %mul3A_48, %add3A_94 : i32
        %slice3A_96 = vector.extract_strided_slice %get3A_50 {offsets = [2], sizes = [1], strides = [1]} : vector<16xi32> to vector<1xi32>
        %squeeze3A_97 = vector.extract %slice3A_96[0] : i32 from vector<1xi32>
        %dma_start3A_98 = arith.constant 0 : i32
        %dma_start3A_99 = tpu.memref_slice %arg10[%add3A_95, %dma_start3A_98] : memref<128x32xf32, #tpu.memory_space<vmem>> -> memref<1x32xf32, #tpu.memory_space<vmem>>
        %dma_start3A_100 = arith.constant 0 : i32
        %dma_start3A_101 = tpu.memref_slice %arg4[%squeeze3A_97, %dma_start3A_100] : memref<1000000x32xf32, #tpu.memory_space<hbm>> -> memref<1x32xf32, #tpu.memory_space<hbm>>
        %dma_start3A_102 = arith.constant 0 : i32
        %dma_start3A_103 = tpu.memref_slice %arg10[%add3A_95, %dma_start3A_102] : memref<128x32xf32, #tpu.memory_space<vmem>> -> memref<1x32xf32, #tpu.memory_space<vmem>>
        %dma_start3A_104 = arith.constant 0 : i32
        %dma_start3A_105 = tpu.memref_slice %arg4[%squeeze3A_97, %dma_start3A_104] : memref<1000000x32xf32, #tpu.memory_space<hbm>> -> memref<1x32xf32, #tpu.memory_space<hbm>>
        tpu.enqueue_dma source(%dma_start3A_105 : memref<1x32xf32, #tpu.memory_space<hbm>>) target(%dma_start3A_103 : memref<1x32xf32, #tpu.memory_space<vmem>>) target_semaphore(%arg14 : memref<!tpu.dma_semaphore, #tpu.memory_space<semaphore_mem>>)
        %slice3A_106 = vector.extract_strided_slice %get3A_52 {offsets = [2], sizes = [1], strides = [1]} : vector<16xi32> to vector<1xi32>
        %squeeze3A_107 = vector.extract %slice3A_106[0] : i32 from vector<1xi32>
        %dma_start3A_108 = arith.constant 0 : i32
        %dma_start3A_109 = tpu.memref_slice %arg11[%add3A_95, %dma_start3A_108] : memref<128x32xf32, #tpu.memory_space<vmem>> -> memref<1x32xf32, #tpu.memory_space<vmem>>
        %dma_start3A_110 = arith.constant 0 : i32
        %dma_start3A_111 = tpu.memref_slice %arg5[%squeeze3A_107, %dma_start3A_110] : memref<1000000x32xf32, #tpu.memory_space<hbm>> -> memref<1x32xf32, #tpu.memory_space<hbm>>
        %dma_start3A_112 = arith.constant 0 : i32
        %dma_start3A_113 = tpu.memref_slice %arg11[%add3A_95, %dma_start3A_112] : memref<128x32xf32, #tpu.memory_space<vmem>> -> memref<1x32xf32, #tpu.memory_space<vmem>>
        %dma_start3A_114 = arith.constant 0 : i32
        %dma_start3A_115 = tpu.memref_slice %arg5[%squeeze3A_107, %dma_start3A_114] : memref<1000000x32xf32, #tpu.memory_space<hbm>> -> memref<1x32xf32, #tpu.memory_space<hbm>>
        tpu.enqueue_dma source(%dma_start3A_115 : memref<1x32xf32, #tpu.memory_space<hbm>>) target(%dma_start3A_113 : memref<1x32xf32, #tpu.memory_space<vmem>>) target_semaphore(%arg15 : memref<!tpu.dma_semaphore, #tpu.memory_space<semaphore_mem>>)
        %add3A_116 = arith.constant 3 : i32
        %add3A_117 = arith.addi %mul3A_48, %add3A_116 : i32
        %slice3A_118 = vector.extract_strided_slice %get3A_50 {offsets = [3], sizes = [1], strides = [1]} : vector<16xi32> to vector<1xi32>
        %squeeze3A_119 = vector.extract %slice3A_118[0] : i32 from vector<1xi32>
        %dma_start3A_120 = arith.constant 0 : i32
        %dma_start3A_121 = tpu.memref_slice %arg10[%add3A_117, %dma_start3A_120] : memref<128x32xf32, #tpu.memory_space<vmem>> -> memref<1x32xf32, #tpu.memory_space<vmem>>
        %dma_start3A_122 = arith.constant 0 : i32
        %dma_start3A_123 = tpu.memref_slice %arg4[%squeeze3A_119, %dma_start3A_122] : memref<1000000x32xf32, #tpu.memory_space<hbm>> -> memref<1x32xf32, #tpu.memory_space<hbm>>
        %dma_start3A_124 = arith.constant 0 : i32
        %dma_start3A_125 = tpu.memref_slice %arg10[%add3A_117, %dma_start3A_124] : memref<128x32xf32, #tpu.memory_space<vmem>> -> memref<1x32xf32, #tpu.memory_space<vmem>>
        %dma_start3A_126 = arith.constant 0 : i32
        %dma_start3A_127 = tpu.memref_slice %arg4[%squeeze3A_119, %dma_start3A_126] : memref<1000000x32xf32, #tpu.memory_space<hbm>> -> memref<1x32xf32, #tpu.memory_space<hbm>>
        tpu.enqueue_dma source(%dma_start3A_127 : memref<1x32xf32, #tpu.memory_space<hbm>>) target(%dma_start3A_125 : memref<1x32xf32, #tpu.memory_space<vmem>>) target_semaphore(%arg14 : memref<!tpu.dma_semaphore, #tpu.memory_space<semaphore_mem>>)
        %slice3A_128 = vector.extract_strided_slice %get3A_52 {offsets = [3], sizes = [1], strides = [1]} : vector<16xi32> to vector<1xi32>
        %squeeze3A_129 = vector.extract %slice3A_128[0] : i32 from vector<1xi32>
        %dma_start3A_130 = arith.constant 0 : i32
        %dma_start3A_131 = tpu.memref_slice %arg11[%add3A_117, %dma_start3A_130] : memref<128x32xf32, #tpu.memory_space<vmem>> -> memref<1x32xf32, #tpu.memory_space<vmem>>
        %dma_start3A_132 = arith.constant 0 : i32
        %dma_start3A_133 = tpu.memref_slice %arg5[%squeeze3A_129, %dma_start3A_132] : memref<1000000x32xf32, #tpu.memory_space<hbm>> -> memref<1x32xf32, #tpu.memory_space<hbm>>
        %dma_start3A_134 = arith.constant 0 : i32
        %dma_start3A_135 = tpu.memref_slice %arg11[%add3A_117, %dma_start3A_134] : memref<128x32xf32, #tpu.memory_space<vmem>> -> memref<1x32xf32, #tpu.memory_space<vmem>>
        %dma_start3A_136 = arith.constant 0 : i32
        %dma_start3A_137 = tpu.memref_slice %arg5[%squeeze3A_129, %dma_start3A_136] : memref<1000000x32xf32, #tpu.memory_space<hbm>> -> memref<1x32xf32, #tpu.memory_space<hbm>>
        tpu.enqueue_dma source(%dma_start3A_137 : memref<1x32xf32, #tpu.memory_space<hbm>>) target(%dma_start3A_135 : memref<1x32xf32, #tpu.memory_space<vmem>>) target_semaphore(%arg15 : memref<!tpu.dma_semaphore, #tpu.memory_space<semaphore_mem>>)
        %add3A_138 = arith.constant 4 : i32
        %add3A_139 = arith.addi %mul3A_48, %add3A_138 : i32
        %slice3A_140 = vector.extract_strided_slice %get3A_50 {offsets = [4], sizes = [1], strides = [1]} : vector<16xi32> to vector<1xi32>
        %squeeze3A_141 = vector.extract %slice3A_140[0] : i32 from vector<1xi32>
        %dma_start3A_142 = arith.constant 0 : i32
        %dma_start3A_143 = tpu.memref_slice %arg10[%add3A_139, %dma_start3A_142] : memref<128x32xf32, #tpu.memory_space<vmem>> -> memref<1x32xf32, #tpu.memory_space<vmem>>
        %dma_start3A_144 = arith.constant 0 : i32
        %dma_start3A_145 = tpu.memref_slice %arg4[%squeeze3A_141, %dma_start3A_144] : memref<1000000x32xf32, #tpu.memory_space<hbm>> -> memref<1x32xf32, #tpu.memory_space<hbm>>
        %dma_start3A_146 = arith.constant 0 : i32
        %dma_start3A_147 = tpu.memref_slice %arg10[%add3A_139, %dma_start3A_146] : memref<128x32xf32, #tpu.memory_space<vmem>> -> memref<1x32xf32, #tpu.memory_space<vmem>>
        %dma_start3A_148 = arith.constant 0 : i32
        %dma_start3A_149 = tpu.memref_slice %arg4[%squeeze3A_141, %dma_start3A_148] : memref<1000000x32xf32, #tpu.memory_space<hbm>> -> memref<1x32xf32, #tpu.memory_space<hbm>>
        tpu.enqueue_dma source(%dma_start3A_149 : memref<1x32xf32, #tpu.memory_space<hbm>>) target(%dma_start3A_147 : memref<1x32xf32, #tpu.memory_space<vmem>>) target_semaphore(%arg14 : memref<!tpu.dma_semaphore, #tpu.memory_space<semaphore_mem>>)
        %slice3A_150 = vector.extract_strided_slice %get3A_52 {offsets = [4], sizes = [1], strides = [1]} : vector<16xi32> to vector<1xi32>
        %squeeze3A_151 = vector.extract %slice3A_150[0] : i32 from vector<1xi32>
        %dma_start3A_152 = arith.constant 0 : i32
        %dma_start3A_153 = tpu.memref_slice %arg11[%add3A_139, %dma_start3A_152] : memref<128x32xf32, #tpu.memory_space<vmem>> -> memref<1x32xf32, #tpu.memory_space<vmem>>
        %dma_start3A_154 = arith.constant 0 : i32
        %dma_start3A_155 = tpu.memref_slice %arg5[%squeeze3A_151, %dma_start3A_154] : memref<1000000x32xf32, #tpu.memory_space<hbm>> -> memref<1x32xf32, #tpu.memory_space<hbm>>
        %dma_start3A_156 = arith.constant 0 : i32
        %dma_start3A_157 = tpu.memref_slice %arg11[%add3A_139, %dma_start3A_156] : memref<128x32xf32, #tpu.memory_space<vmem>> -> memref<1x32xf32, #tpu.memory_space<vmem>>
        %dma_start3A_158 = arith.constant 0 : i32
        %dma_start3A_159 = tpu.memref_slice %arg5[%squeeze3A_151, %dma_start3A_158] : memref<1000000x32xf32, #tpu.memory_space<hbm>> -> memref<1x32xf32, #tpu.memory_space<hbm>>
        tpu.enqueue_dma source(%dma_start3A_159 : memref<1x32xf32, #tpu.memory_space<hbm>>) target(%dma_start3A_157 : memref<1x32xf32, #tpu.memory_space<vmem>>) target_semaphore(%arg15 : memref<!tpu.dma_semaphore, #tpu.memory_space<semaphore_mem>>)
        %add3A_160 = arith.constant 5 : i32
        %add3A_161 = arith.addi %mul3A_48, %add3A_160 : i32
        %slice3A_162 = vector.extract_strided_slice %get3A_50 {offsets = [5], sizes = [1], strides = [1]} : vector<16xi32> to vector<1xi32>
        %squeeze3A_163 = vector.extract %slice3A_162[0] : i32 from vector<1xi32>
        %dma_start3A_164 = arith.constant 0 : i32
        %dma_start3A_165 = tpu.memref_slice %arg10[%add3A_161, %dma_start3A_164] : memref<128x32xf32, #tpu.memory_space<vmem>> -> memref<1x32xf32, #tpu.memory_space<vmem>>
        %dma_start3A_166 = arith.constant 0 : i32
        %dma_start3A_167 = tpu.memref_slice %arg4[%squeeze3A_163, %dma_start3A_166] : memref<1000000x32xf32, #tpu.memory_space<hbm>> -> memref<1x32xf32, #tpu.memory_space<hbm>>
        %dma_start3A_168 = arith.constant 0 : i32
        %dma_start3A_169 = tpu.memref_slice %arg10[%add3A_161, %dma_start3A_168] : memref<128x32xf32, #tpu.memory_space<vmem>> -> memref<1x32xf32, #tpu.memory_space<vmem>>
        %dma_start3A_170 = arith.constant 0 : i32
        %dma_start3A_171 = tpu.memref_slice %arg4[%squeeze3A_163, %dma_start3A_170] : memref<1000000x32xf32, #tpu.memory_space<hbm>> -> memref<1x32xf32, #tpu.memory_space<hbm>>
        tpu.enqueue_dma source(%dma_start3A_171 : memref<1x32xf32, #tpu.memory_space<hbm>>) target(%dma_start3A_169 : memref<1x32xf32, #tpu.memory_space<vmem>>) target_semaphore(%arg14 : memref<!tpu.dma_semaphore, #tpu.memory_space<semaphore_mem>>)
        %slice3A_172 = vector.extract_strided_slice %get3A_52 {offsets = [5], sizes = [1], strides = [1]} : vector<16xi32> to vector<1xi32>
        %squeeze3A_173 = vector.extract %slice3A_172[0] : i32 from vector<1xi32>
        %dma_start3A_174 = arith.constant 0 : i32
        %dma_start3A_175 = tpu.memref_slice %arg11[%add3A_161, %dma_start3A_174] : memref<128x32xf32, #tpu.memory_space<vmem>> -> memref<1x32xf32, #tpu.memory_space<vmem>>
        %dma_start3A_176 = arith.constant 0 : i32
        %dma_start3A_177 = tpu.memref_slice %arg5[%squeeze3A_173, %dma_start3A_176] : memref<1000000x32xf32, #tpu.memory_space<hbm>> -> memref<1x32xf32, #tpu.memory_space<hbm>>
        %dma_start3A_178 = arith.constant 0 : i32
        %dma_start3A_179 = tpu.memref_slice %arg11[%add3A_161, %dma_start3A_178] : memref<128x32xf32, #tpu.memory_space<vmem>> -> memref<1x32xf32, #tpu.memory_space<vmem>>
        %dma_start3A_180 = arith.constant 0 : i32
        %dma_start3A_181 = tpu.memref_slice %arg5[%squeeze3A_173, %dma_start3A_180] : memref<1000000x32xf32, #tpu.memory_space<hbm>> -> memref<1x32xf32, #tpu.memory_space<hbm>>
        tpu.enqueue_dma source(%dma_start3A_181 : memref<1x32xf32, #tpu.memory_space<hbm>>) target(%dma_start3A_179 : memref<1x32xf32, #tpu.memory_space<vmem>>) target_semaphore(%arg15 : memref<!tpu.dma_semaphore, #tpu.memory_space<semaphore_mem>>)
        %add3A_182 = arith.constant 6 : i32
        %add3A_183 = arith.addi %mul3A_48, %add3A_182 : i32
        %slice3A_184 = vector.extract_strided_slice %get3A_50 {offsets = [6], sizes = [1], strides = [1]} : vector<16xi32> to vector<1xi32>
        %squeeze3A_185 = vector.extract %slice3A_184[0] : i32 from vector<1xi32>
        %dma_start3A_186 = arith.constant 0 : i32
        %dma_start3A_187 = tpu.memref_slice %arg10[%add3A_183, %dma_start3A_186] : memref<128x32xf32, #tpu.memory_space<vmem>> -> memref<1x32xf32, #tpu.memory_space<vmem>>
        %dma_start3A_188 = arith.constant 0 : i32
        %dma_start3A_189 = tpu.memref_slice %arg4[%squeeze3A_185, %dma_start3A_188] : memref<1000000x32xf32, #tpu.memory_space<hbm>> -> memref<1x32xf32, #tpu.memory_space<hbm>>
        %dma_start3A_190 = arith.constant 0 : i32
        %dma_start3A_191 = tpu.memref_slice %arg10[%add3A_183, %dma_start3A_190] : memref<128x32xf32, #tpu.memory_space<vmem>> -> memref<1x32xf32, #tpu.memory_space<vmem>>
        %dma_start3A_192 = arith.constant 0 : i32
        %dma_start3A_193 = tpu.memref_slice %arg4[%squeeze3A_185, %dma_start3A_192] : memref<1000000x32xf32, #tpu.memory_space<hbm>> -> memref<1x32xf32, #tpu.memory_space<hbm>>
        tpu.enqueue_dma source(%dma_start3A_193 : memref<1x32xf32, #tpu.memory_space<hbm>>) target(%dma_start3A_191 : memref<1x32xf32, #tpu.memory_space<vmem>>) target_semaphore(%arg14 : memref<!tpu.dma_semaphore, #tpu.memory_space<semaphore_mem>>)
        %slice3A_194 = vector.extract_strided_slice %get3A_52 {offsets = [6], sizes = [1], strides = [1]} : vector<16xi32> to vector<1xi32>
        %squeeze3A_195 = vector.extract %slice3A_194[0] : i32 from vector<1xi32>
        %dma_start3A_196 = arith.constant 0 : i32
        %dma_start3A_197 = tpu.memref_slice %arg11[%add3A_183, %dma_start3A_196] : memref<128x32xf32, #tpu.memory_space<vmem>> -> memref<1x32xf32, #tpu.memory_space<vmem>>
        %dma_start3A_198 = arith.constant 0 : i32
        %dma_start3A_199 = tpu.memref_slice %arg5[%squeeze3A_195, %dma_start3A_198] : memref<1000000x32xf32, #tpu.memory_space<hbm>> -> memref<1x32xf32, #tpu.memory_space<hbm>>
        %dma_start3A_200 = arith.constant 0 : i32
        %dma_start3A_201 = tpu.memref_slice %arg11[%add3A_183, %dma_start3A_200] : memref<128x32xf32, #tpu.memory_space<vmem>> -> memref<1x32xf32, #tpu.memory_space<vmem>>
        %dma_start3A_202 = arith.constant 0 : i32
        %dma_start3A_203 = tpu.memref_slice %arg5[%squeeze3A_195, %dma_start3A_202] : memref<1000000x32xf32, #tpu.memory_space<hbm>> -> memref<1x32xf32, #tpu.memory_space<hbm>>
        tpu.enqueue_dma source(%dma_start3A_203 : memref<1x32xf32, #tpu.memory_space<hbm>>) target(%dma_start3A_201 : memref<1x32xf32, #tpu.memory_space<vmem>>) target_semaphore(%arg15 : memref<!tpu.dma_semaphore, #tpu.memory_space<semaphore_mem>>)
        %add3A_204 = arith.constant 7 : i32
        %add3A_205 = arith.addi %mul3A_48, %add3A_204 : i32
        %slice3A_206 = vector.extract_strided_slice %get3A_50 {offsets = [7], sizes = [1], strides = [1]} : vector<16xi32> to vector<1xi32>
        %squeeze3A_207 = vector.extract %slice3A_206[0] : i32 from vector<1xi32>
        %dma_start3A_208 = arith.constant 0 : i32
        %dma_start3A_209 = tpu.memref_slice %arg10[%add3A_205, %dma_start3A_208] : memref<128x32xf32, #tpu.memory_space<vmem>> -> memref<1x32xf32, #tpu.memory_space<vmem>>
        %dma_start3A_210 = arith.constant 0 : i32
        %dma_start3A_211 = tpu.memref_slice %arg4[%squeeze3A_207, %dma_start3A_210] : memref<1000000x32xf32, #tpu.memory_space<hbm>> -> memref<1x32xf32, #tpu.memory_space<hbm>>
        %dma_start3A_212 = arith.constant 0 : i32
        %dma_start3A_213 = tpu.memref_slice %arg10[%add3A_205, %dma_start3A_212] : memref<128x32xf32, #tpu.memory_space<vmem>> -> memref<1x32xf32, #tpu.memory_space<vmem>>
        %dma_start3A_214 = arith.constant 0 : i32
        %dma_start3A_215 = tpu.memref_slice %arg4[%squeeze3A_207, %dma_start3A_214] : memref<1000000x32xf32, #tpu.memory_space<hbm>> -> memref<1x32xf32, #tpu.memory_space<hbm>>
        tpu.enqueue_dma source(%dma_start3A_215 : memref<1x32xf32, #tpu.memory_space<hbm>>) target(%dma_start3A_213 : memref<1x32xf32, #tpu.memory_space<vmem>>) target_semaphore(%arg14 : memref<!tpu.dma_semaphore, #tpu.memory_space<semaphore_mem>>)
        %slice3A_216 = vector.extract_strided_slice %get3A_52 {offsets = [7], sizes = [1], strides = [1]} : vector<16xi32> to vector<1xi32>
        %squeeze3A_217 = vector.extract %slice3A_216[0] : i32 from vector<1xi32>
        %dma_start3A_218 = arith.constant 0 : i32
        %dma_start3A_219 = tpu.memref_slice %arg11[%add3A_205, %dma_start3A_218] : memref<128x32xf32, #tpu.memory_space<vmem>> -> memref<1x32xf32, #tpu.memory_space<vmem>>
        %dma_start3A_220 = arith.constant 0 : i32
        %dma_start3A_221 = tpu.memref_slice %arg5[%squeeze3A_217, %dma_start3A_220] : memref<1000000x32xf32, #tpu.memory_space<hbm>> -> memref<1x32xf32, #tpu.memory_space<hbm>>
        %dma_start3A_222 = arith.constant 0 : i32
        %dma_start3A_223 = tpu.memref_slice %arg11[%add3A_205, %dma_start3A_222] : memref<128x32xf32, #tpu.memory_space<vmem>> -> memref<1x32xf32, #tpu.memory_space<vmem>>
        %dma_start3A_224 = arith.constant 0 : i32
        %dma_start3A_225 = tpu.memref_slice %arg5[%squeeze3A_217, %dma_start3A_224] : memref<1000000x32xf32, #tpu.memory_space<hbm>> -> memref<1x32xf32, #tpu.memory_space<hbm>>
        tpu.enqueue_dma source(%dma_start3A_225 : memref<1x32xf32, #tpu.memory_space<hbm>>) target(%dma_start3A_223 : memref<1x32xf32, #tpu.memory_space<vmem>>) target_semaphore(%arg15 : memref<!tpu.dma_semaphore, #tpu.memory_space<semaphore_mem>>)
        %add3A_226 = arith.constant 8 : i32
        %add3A_227 = arith.addi %mul3A_48, %add3A_226 : i32
        %slice3A_228 = vector.extract_strided_slice %get3A_50 {offsets = [8], sizes = [1], strides = [1]} : vector<16xi32> to vector<1xi32>
        %squeeze3A_229 = vector.extract %slice3A_228[0] : i32 from vector<1xi32>
        %dma_start3A_230 = arith.constant 0 : i32
        %dma_start3A_231 = tpu.memref_slice %arg10[%add3A_227, %dma_start3A_230] : memref<128x32xf32, #tpu.memory_space<vmem>> -> memref<1x32xf32, #tpu.memory_space<vmem>>
        %dma_start3A_232 = arith.constant 0 : i32
        %dma_start3A_233 = tpu.memref_slice %arg4[%squeeze3A_229, %dma_start3A_232] : memref<1000000x32xf32, #tpu.memory_space<hbm>> -> memref<1x32xf32, #tpu.memory_space<hbm>>
        %dma_start3A_234 = arith.constant 0 : i32
        %dma_start3A_235 = tpu.memref_slice %arg10[%add3A_227, %dma_start3A_234] : memref<128x32xf32, #tpu.memory_space<vmem>> -> memref<1x32xf32, #tpu.memory_space<vmem>>
        %dma_start3A_236 = arith.constant 0 : i32
        %dma_start3A_237 = tpu.memref_slice %arg4[%squeeze3A_229, %dma_start3A_236] : memref<1000000x32xf32, #tpu.memory_space<hbm>> -> memref<1x32xf32, #tpu.memory_space<hbm>>
        tpu.enqueue_dma source(%dma_start3A_237 : memref<1x32xf32, #tpu.memory_space<hbm>>) target(%dma_start3A_235 : memref<1x32xf32, #tpu.memory_space<vmem>>) target_semaphore(%arg14 : memref<!tpu.dma_semaphore, #tpu.memory_space<semaphore_mem>>)
        %slice3A_238 = vector.extract_strided_slice %get3A_52 {offsets = [8], sizes = [1], strides = [1]} : vector<16xi32> to vector<1xi32>
        %squeeze3A_239 = vector.extract %slice3A_238[0] : i32 from vector<1xi32>
        %dma_start3A_240 = arith.constant 0 : i32
        %dma_start3A_241 = tpu.memref_slice %arg11[%add3A_227, %dma_start3A_240] : memref<128x32xf32, #tpu.memory_space<vmem>> -> memref<1x32xf32, #tpu.memory_space<vmem>>
        %dma_start3A_242 = arith.constant 0 : i32
        %dma_start3A_243 = tpu.memref_slice %arg5[%squeeze3A_239, %dma_start3A_242] : memref<1000000x32xf32, #tpu.memory_space<hbm>> -> memref<1x32xf32, #tpu.memory_space<hbm>>
        %dma_start3A_244 = arith.constant 0 : i32
        %dma_start3A_245 = tpu.memref_slice %arg11[%add3A_227, %dma_start3A_244] : memref<128x32xf32, #tpu.memory_space<vmem>> -> memref<1x32xf32, #tpu.memory_space<vmem>>
        %dma_start3A_246 = arith.constant 0 : i32
        %dma_start3A_247 = tpu.memref_slice %arg5[%squeeze3A_239, %dma_start3A_246] : memref<1000000x32xf32, #tpu.memory_space<hbm>> -> memref<1x32xf32, #tpu.memory_space<hbm>>
        tpu.enqueue_dma source(%dma_start3A_247 : memref<1x32xf32, #tpu.memory_space<hbm>>) target(%dma_start3A_245 : memref<1x32xf32, #tpu.memory_space<vmem>>) target_semaphore(%arg15 : memref<!tpu.dma_semaphore, #tpu.memory_space<semaphore_mem>>)
        %add3A_248 = arith.constant 9 : i32
        %add3A_249 = arith.addi %mul3A_48, %add3A_248 : i32
        %slice3A_250 = vector.extract_strided_slice %get3A_50 {offsets = [9], sizes = [1], strides = [1]} : vector<16xi32> to vector<1xi32>
        %squeeze3A_251 = vector.extract %slice3A_250[0] : i32 from vector<1xi32>
        %dma_start3A_252 = arith.constant 0 : i32
        %dma_start3A_253 = tpu.memref_slice %arg10[%add3A_249, %dma_start3A_252] : memref<128x32xf32, #tpu.memory_space<vmem>> -> memref<1x32xf32, #tpu.memory_space<vmem>>
        %dma_start3A_254 = arith.constant 0 : i32
        %dma_start3A_255 = tpu.memref_slice %arg4[%squeeze3A_251, %dma_start3A_254] : memref<1000000x32xf32, #tpu.memory_space<hbm>> -> memref<1x32xf32, #tpu.memory_space<hbm>>
        %dma_start3A_256 = arith.constant 0 : i32
        %dma_start3A_257 = tpu.memref_slice %arg10[%add3A_249, %dma_start3A_256] : memref<128x32xf32, #tpu.memory_space<vmem>> -> memref<1x32xf32, #tpu.memory_space<vmem>>
        %dma_start3A_258 = arith.constant 0 : i32
        %dma_start3A_259 = tpu.memref_slice %arg4[%squeeze3A_251, %dma_start3A_258] : memref<1000000x32xf32, #tpu.memory_space<hbm>> -> memref<1x32xf32, #tpu.memory_space<hbm>>
        tpu.enqueue_dma source(%dma_start3A_259 : memref<1x32xf32, #tpu.memory_space<hbm>>) target(%dma_start3A_257 : memref<1x32xf32, #tpu.memory_space<vmem>>) target_semaphore(%arg14 : memref<!tpu.dma_semaphore, #tpu.memory_space<semaphore_mem>>)
        %slice3A_260 = vector.extract_strided_slice %get3A_52 {offsets = [9], sizes = [1], strides = [1]} : vector<16xi32> to vector<1xi32>
        %squeeze3A_261 = vector.extract %slice3A_260[0] : i32 from vector<1xi32>
        %dma_start3A_262 = arith.constant 0 : i32
        %dma_start3A_263 = tpu.memref_slice %arg11[%add3A_249, %dma_start3A_262] : memref<128x32xf32, #tpu.memory_space<vmem>> -> memref<1x32xf32, #tpu.memory_space<vmem>>
        %dma_start3A_264 = arith.constant 0 : i32
        %dma_start3A_265 = tpu.memref_slice %arg5[%squeeze3A_261, %dma_start3A_264] : memref<1000000x32xf32, #tpu.memory_space<hbm>> -> memref<1x32xf32, #tpu.memory_space<hbm>>
        %dma_start3A_266 = arith.constant 0 : i32
        %dma_start3A_267 = tpu.memref_slice %arg11[%add3A_249, %dma_start3A_266] : memref<128x32xf32, #tpu.memory_space<vmem>> -> memref<1x32xf32, #tpu.memory_space<vmem>>
        %dma_start3A_268 = arith.constant 0 : i32
        %dma_start3A_269 = tpu.memref_slice %arg5[%squeeze3A_261, %dma_start3A_268] : memref<1000000x32xf32, #tpu.memory_space<hbm>> -> memref<1x32xf32, #tpu.memory_space<hbm>>
        tpu.enqueue_dma source(%dma_start3A_269 : memref<1x32xf32, #tpu.memory_space<hbm>>) target(%dma_start3A_267 : memref<1x32xf32, #tpu.memory_space<vmem>>) target_semaphore(%arg15 : memref<!tpu.dma_semaphore, #tpu.memory_space<semaphore_mem>>)
        %add3A_270 = arith.constant 10 : i32
        %add3A_271 = arith.addi %mul3A_48, %add3A_270 : i32
        %slice3A_272 = vector.extract_strided_slice %get3A_50 {offsets = [10], sizes = [1], strides = [1]} : vector<16xi32> to vector<1xi32>
        %squeeze3A_273 = vector.extract %slice3A_272[0] : i32 from vector<1xi32>
        %dma_start3A_274 = arith.constant 0 : i32
        %dma_start3A_275 = tpu.memref_slice %arg10[%add3A_271, %dma_start3A_274] : memref<128x32xf32, #tpu.memory_space<vmem>> -> memref<1x32xf32, #tpu.memory_space<vmem>>
        %dma_start3A_276 = arith.constant 0 : i32
        %dma_start3A_277 = tpu.memref_slice %arg4[%squeeze3A_273, %dma_start3A_276] : memref<1000000x32xf32, #tpu.memory_space<hbm>> -> memref<1x32xf32, #tpu.memory_space<hbm>>
        %dma_start3A_278 = arith.constant 0 : i32
        %dma_start3A_279 = tpu.memref_slice %arg10[%add3A_271, %dma_start3A_278] : memref<128x32xf32, #tpu.memory_space<vmem>> -> memref<1x32xf32, #tpu.memory_space<vmem>>
        %dma_start3A_280 = arith.constant 0 : i32
        %dma_start3A_281 = tpu.memref_slice %arg4[%squeeze3A_273, %dma_start3A_280] : memref<1000000x32xf32, #tpu.memory_space<hbm>> -> memref<1x32xf32, #tpu.memory_space<hbm>>
        tpu.enqueue_dma source(%dma_start3A_281 : memref<1x32xf32, #tpu.memory_space<hbm>>) target(%dma_start3A_279 : memref<1x32xf32, #tpu.memory_space<vmem>>) target_semaphore(%arg14 : memref<!tpu.dma_semaphore, #tpu.memory_space<semaphore_mem>>)
        %slice3A_282 = vector.extract_strided_slice %get3A_52 {offsets = [10], sizes = [1], strides = [1]} : vector<16xi32> to vector<1xi32>
        %squeeze3A_283 = vector.extract %slice3A_282[0] : i32 from vector<1xi32>
        %dma_start3A_284 = arith.constant 0 : i32
        %dma_start3A_285 = tpu.memref_slice %arg11[%add3A_271, %dma_start3A_284] : memref<128x32xf32, #tpu.memory_space<vmem>> -> memref<1x32xf32, #tpu.memory_space<vmem>>
        %dma_start3A_286 = arith.constant 0 : i32
        %dma_start3A_287 = tpu.memref_slice %arg5[%squeeze3A_283, %dma_start3A_286] : memref<1000000x32xf32, #tpu.memory_space<hbm>> -> memref<1x32xf32, #tpu.memory_space<hbm>>
        %dma_start3A_288 = arith.constant 0 : i32
        %dma_start3A_289 = tpu.memref_slice %arg11[%add3A_271, %dma_start3A_288] : memref<128x32xf32, #tpu.memory_space<vmem>> -> memref<1x32xf32, #tpu.memory_space<vmem>>
        %dma_start3A_290 = arith.constant 0 : i32
        %dma_start3A_291 = tpu.memref_slice %arg5[%squeeze3A_283, %dma_start3A_290] : memref<1000000x32xf32, #tpu.memory_space<hbm>> -> memref<1x32xf32, #tpu.memory_space<hbm>>
        tpu.enqueue_dma source(%dma_start3A_291 : memref<1x32xf32, #tpu.memory_space<hbm>>) target(%dma_start3A_289 : memref<1x32xf32, #tpu.memory_space<vmem>>) target_semaphore(%arg15 : memref<!tpu.dma_semaphore, #tpu.memory_space<semaphore_mem>>)
        %add3A_292 = arith.constant 11 : i32
        %add3A_293 = arith.addi %mul3A_48, %add3A_292 : i32
        %slice3A_294 = vector.extract_strided_slice %get3A_50 {offsets = [11], sizes = [1], strides = [1]} : vector<16xi32> to vector<1xi32>
        %squeeze3A_295 = vector.extract %slice3A_294[0] : i32 from vector<1xi32>
        %dma_start3A_296 = arith.constant 0 : i32
        %dma_start3A_297 = tpu.memref_slice %arg10[%add3A_293, %dma_start3A_296] : memref<128x32xf32, #tpu.memory_space<vmem>> -> memref<1x32xf32, #tpu.memory_space<vmem>>
        %dma_start3A_298 = arith.constant 0 : i32
        %dma_start3A_299 = tpu.memref_slice %arg4[%squeeze3A_295, %dma_start3A_298] : memref<1000000x32xf32, #tpu.memory_space<hbm>> -> memref<1x32xf32, #tpu.memory_space<hbm>>
        %dma_start3A_300 = arith.constant 0 : i32
        %dma_start3A_301 = tpu.memref_slice %arg10[%add3A_293, %dma_start3A_300] : memref<128x32xf32, #tpu.memory_space<vmem>> -> memref<1x32xf32, #tpu.memory_space<vmem>>
        %dma_start3A_302 = arith.constant 0 : i32
        %dma_start3A_303 = tpu.memref_slice %arg4[%squeeze3A_295, %dma_start3A_302] : memref<1000000x32xf32, #tpu.memory_space<hbm>> -> memref<1x32xf32, #tpu.memory_space<hbm>>
        tpu.enqueue_dma source(%dma_start3A_303 : memref<1x32xf32, #tpu.memory_space<hbm>>) target(%dma_start3A_301 : memref<1x32xf32, #tpu.memory_space<vmem>>) target_semaphore(%arg14 : memref<!tpu.dma_semaphore, #tpu.memory_space<semaphore_mem>>)
        %slice3A_304 = vector.extract_strided_slice %get3A_52 {offsets = [11], sizes = [1], strides = [1]} : vector<16xi32> to vector<1xi32>
        %squeeze3A_305 = vector.extract %slice3A_304[0] : i32 from vector<1xi32>
        %dma_start3A_306 = arith.constant 0 : i32
        %dma_start3A_307 = tpu.memref_slice %arg11[%add3A_293, %dma_start3A_306] : memref<128x32xf32, #tpu.memory_space<vmem>> -> memref<1x32xf32, #tpu.memory_space<vmem>>
        %dma_start3A_308 = arith.constant 0 : i32
        %dma_start3A_309 = tpu.memref_slice %arg5[%squeeze3A_305, %dma_start3A_308] : memref<1000000x32xf32, #tpu.memory_space<hbm>> -> memref<1x32xf32, #tpu.memory_space<hbm>>
        %dma_start3A_310 = arith.constant 0 : i32
        %dma_start3A_311 = tpu.memref_slice %arg11[%add3A_293, %dma_start3A_310] : memref<128x32xf32, #tpu.memory_space<vmem>> -> memref<1x32xf32, #tpu.memory_space<vmem>>
        %dma_start3A_312 = arith.constant 0 : i32
        %dma_start3A_313 = tpu.memref_slice %arg5[%squeeze3A_305, %dma_start3A_312] : memref<1000000x32xf32, #tpu.memory_space<hbm>> -> memref<1x32xf32, #tpu.memory_space<hbm>>
        tpu.enqueue_dma source(%dma_start3A_313 : memref<1x32xf32, #tpu.memory_space<hbm>>) target(%dma_start3A_311 : memref<1x32xf32, #tpu.memory_space<vmem>>) target_semaphore(%arg15 : memref<!tpu.dma_semaphore, #tpu.memory_space<semaphore_mem>>)
        %add3A_314 = arith.constant 12 : i32
        %add3A_315 = arith.addi %mul3A_48, %add3A_314 : i32
        %slice3A_316 = vector.extract_strided_slice %get3A_50 {offsets = [12], sizes = [1], strides = [1]} : vector<16xi32> to vector<1xi32>
        %squeeze3A_317 = vector.extract %slice3A_316[0] : i32 from vector<1xi32>
        %dma_start3A_318 = arith.constant 0 : i32
        %dma_start3A_319 = tpu.memref_slice %arg10[%add3A_315, %dma_start3A_318] : memref<128x32xf32, #tpu.memory_space<vmem>> -> memref<1x32xf32, #tpu.memory_space<vmem>>
        %dma_start3A_320 = arith.constant 0 : i32
        %dma_start3A_321 = tpu.memref_slice %arg4[%squeeze3A_317, %dma_start3A_320] : memref<1000000x32xf32, #tpu.memory_space<hbm>> -> memref<1x32xf32, #tpu.memory_space<hbm>>
        %dma_start3A_322 = arith.constant 0 : i32
        %dma_start3A_323 = tpu.memref_slice %arg10[%add3A_315, %dma_start3A_322] : memref<128x32xf32, #tpu.memory_space<vmem>> -> memref<1x32xf32, #tpu.memory_space<vmem>>
        %dma_start3A_324 = arith.constant 0 : i32
        %dma_start3A_325 = tpu.memref_slice %arg4[%squeeze3A_317, %dma_start3A_324] : memref<1000000x32xf32, #tpu.memory_space<hbm>> -> memref<1x32xf32, #tpu.memory_space<hbm>>
        tpu.enqueue_dma source(%dma_start3A_325 : memref<1x32xf32, #tpu.memory_space<hbm>>) target(%dma_start3A_323 : memref<1x32xf32, #tpu.memory_space<vmem>>) target_semaphore(%arg14 : memref<!tpu.dma_semaphore, #tpu.memory_space<semaphore_mem>>)
        %slice3A_326 = vector.extract_strided_slice %get3A_52 {offsets = [12], sizes = [1], strides = [1]} : vector<16xi32> to vector<1xi32>
        %squeeze3A_327 = vector.extract %slice3A_326[0] : i32 from vector<1xi32>
        %dma_start3A_328 = arith.constant 0 : i32
        %dma_start3A_329 = tpu.memref_slice %arg11[%add3A_315, %dma_start3A_328] : memref<128x32xf32, #tpu.memory_space<vmem>> -> memref<1x32xf32, #tpu.memory_space<vmem>>
        %dma_start3A_330 = arith.constant 0 : i32
        %dma_start3A_331 = tpu.memref_slice %arg5[%squeeze3A_327, %dma_start3A_330] : memref<1000000x32xf32, #tpu.memory_space<hbm>> -> memref<1x32xf32, #tpu.memory_space<hbm>>
        %dma_start3A_332 = arith.constant 0 : i32
        %dma_start3A_333 = tpu.memref_slice %arg11[%add3A_315, %dma_start3A_332] : memref<128x32xf32, #tpu.memory_space<vmem>> -> memref<1x32xf32, #tpu.memory_space<vmem>>
        %dma_start3A_334 = arith.constant 0 : i32
        %dma_start3A_335 = tpu.memref_slice %arg5[%squeeze3A_327, %dma_start3A_334] : memref<1000000x32xf32, #tpu.memory_space<hbm>> -> memref<1x32xf32, #tpu.memory_space<hbm>>
        tpu.enqueue_dma source(%dma_start3A_335 : memref<1x32xf32, #tpu.memory_space<hbm>>) target(%dma_start3A_333 : memref<1x32xf32, #tpu.memory_space<vmem>>) target_semaphore(%arg15 : memref<!tpu.dma_semaphore, #tpu.memory_space<semaphore_mem>>)
        %add3A_336 = arith.constant 13 : i32
        %add3A_337 = arith.addi %mul3A_48, %add3A_336 : i32
        %slice3A_338 = vector.extract_strided_slice %get3A_50 {offsets = [13], sizes = [1], strides = [1]} : vector<16xi32> to vector<1xi32>
        %squeeze3A_339 = vector.extract %slice3A_338[0] : i32 from vector<1xi32>
        %dma_start3A_340 = arith.constant 0 : i32
        %dma_start3A_341 = tpu.memref_slice %arg10[%add3A_337, %dma_start3A_340] : memref<128x32xf32, #tpu.memory_space<vmem>> -> memref<1x32xf32, #tpu.memory_space<vmem>>
        %dma_start3A_342 = arith.constant 0 : i32
        %dma_start3A_343 = tpu.memref_slice %arg4[%squeeze3A_339, %dma_start3A_342] : memref<1000000x32xf32, #tpu.memory_space<hbm>> -> memref<1x32xf32, #tpu.memory_space<hbm>>
        %dma_start3A_344 = arith.constant 0 : i32
        %dma_start3A_345 = tpu.memref_slice %arg10[%add3A_337, %dma_start3A_344] : memref<128x32xf32, #tpu.memory_space<vmem>> -> memref<1x32xf32, #tpu.memory_space<vmem>>
        %dma_start3A_346 = arith.constant 0 : i32
        %dma_start3A_347 = tpu.memref_slice %arg4[%squeeze3A_339, %dma_start3A_346] : memref<1000000x32xf32, #tpu.memory_space<hbm>> -> memref<1x32xf32, #tpu.memory_space<hbm>>
        tpu.enqueue_dma source(%dma_start3A_347 : memref<1x32xf32, #tpu.memory_space<hbm>>) target(%dma_start3A_345 : memref<1x32xf32, #tpu.memory_space<vmem>>) target_semaphore(%arg14 : memref<!tpu.dma_semaphore, #tpu.memory_space<semaphore_mem>>)
        %slice3A_348 = vector.extract_strided_slice %get3A_52 {offsets = [13], sizes = [1], strides = [1]} : vector<16xi32> to vector<1xi32>
        %squeeze3A_349 = vector.extract %slice3A_348[0] : i32 from vector<1xi32>
        %dma_start3A_350 = arith.constant 0 : i32
        %dma_start3A_351 = tpu.memref_slice %arg11[%add3A_337, %dma_start3A_350] : memref<128x32xf32, #tpu.memory_space<vmem>> -> memref<1x32xf32, #tpu.memory_space<vmem>>
        %dma_start3A_352 = arith.constant 0 : i32
        %dma_start3A_353 = tpu.memref_slice %arg5[%squeeze3A_349, %dma_start3A_352] : memref<1000000x32xf32, #tpu.memory_space<hbm>> -> memref<1x32xf32, #tpu.memory_space<hbm>>
        %dma_start3A_354 = arith.constant 0 : i32
        %dma_start3A_355 = tpu.memref_slice %arg11[%add3A_337, %dma_start3A_354] : memref<128x32xf32, #tpu.memory_space<vmem>> -> memref<1x32xf32, #tpu.memory_space<vmem>>
        %dma_start3A_356 = arith.constant 0 : i32
        %dma_start3A_357 = tpu.memref_slice %arg5[%squeeze3A_349, %dma_start3A_356] : memref<1000000x32xf32, #tpu.memory_space<hbm>> -> memref<1x32xf32, #tpu.memory_space<hbm>>
        tpu.enqueue_dma source(%dma_start3A_357 : memref<1x32xf32, #tpu.memory_space<hbm>>) target(%dma_start3A_355 : memref<1x32xf32, #tpu.memory_space<vmem>>) target_semaphore(%arg15 : memref<!tpu.dma_semaphore, #tpu.memory_space<semaphore_mem>>)
        %add3A_358 = arith.constant 14 : i32
        %add3A_359 = arith.addi %mul3A_48, %add3A_358 : i32
        %slice3A_360 = vector.extract_strided_slice %get3A_50 {offsets = [14], sizes = [1], strides = [1]} : vector<16xi32> to vector<1xi32>
        %squeeze3A_361 = vector.extract %slice3A_360[0] : i32 from vector<1xi32>
        %dma_start3A_362 = arith.constant 0 : i32
        %dma_start3A_363 = tpu.memref_slice %arg10[%add3A_359, %dma_start3A_362] : memref<128x32xf32, #tpu.memory_space<vmem>> -> memref<1x32xf32, #tpu.memory_space<vmem>>
        %dma_start3A_364 = arith.constant 0 : i32
        %dma_start3A_365 = tpu.memref_slice %arg4[%squeeze3A_361, %dma_start3A_364] : memref<1000000x32xf32, #tpu.memory_space<hbm>> -> memref<1x32xf32, #tpu.memory_space<hbm>>
        %dma_start3A_366 = arith.constant 0 : i32
        %dma_start3A_367 = tpu.memref_slice %arg10[%add3A_359, %dma_start3A_366] : memref<128x32xf32, #tpu.memory_space<vmem>> -> memref<1x32xf32, #tpu.memory_space<vmem>>
        %dma_start3A_368 = arith.constant 0 : i32
        %dma_start3A_369 = tpu.memref_slice %arg4[%squeeze3A_361, %dma_start3A_368] : memref<1000000x32xf32, #tpu.memory_space<hbm>> -> memref<1x32xf32, #tpu.memory_space<hbm>>
        tpu.enqueue_dma source(%dma_start3A_369 : memref<1x32xf32, #tpu.memory_space<hbm>>) target(%dma_start3A_367 : memref<1x32xf32, #tpu.memory_space<vmem>>) target_semaphore(%arg14 : memref<!tpu.dma_semaphore, #tpu.memory_space<semaphore_mem>>)
        %slice3A_370 = vector.extract_strided_slice %get3A_52 {offsets = [14], sizes = [1], strides = [1]} : vector<16xi32> to vector<1xi32>
        %squeeze3A_371 = vector.extract %slice3A_370[0] : i32 from vector<1xi32>
        %dma_start3A_372 = arith.constant 0 : i32
        %dma_start3A_373 = tpu.memref_slice %arg11[%add3A_359, %dma_start3A_372] : memref<128x32xf32, #tpu.memory_space<vmem>> -> memref<1x32xf32, #tpu.memory_space<vmem>>
        %dma_start3A_374 = arith.constant 0 : i32
        %dma_start3A_375 = tpu.memref_slice %arg5[%squeeze3A_371, %dma_start3A_374] : memref<1000000x32xf32, #tpu.memory_space<hbm>> -> memref<1x32xf32, #tpu.memory_space<hbm>>
        %dma_start3A_376 = arith.constant 0 : i32
        %dma_start3A_377 = tpu.memref_slice %arg11[%add3A_359, %dma_start3A_376] : memref<128x32xf32, #tpu.memory_space<vmem>> -> memref<1x32xf32, #tpu.memory_space<vmem>>
        %dma_start3A_378 = arith.constant 0 : i32
        %dma_start3A_379 = tpu.memref_slice %arg5[%squeeze3A_371, %dma_start3A_378] : memref<1000000x32xf32, #tpu.memory_space<hbm>> -> memref<1x32xf32, #tpu.memory_space<hbm>>
        tpu.enqueue_dma source(%dma_start3A_379 : memref<1x32xf32, #tpu.memory_space<hbm>>) target(%dma_start3A_377 : memref<1x32xf32, #tpu.memory_space<vmem>>) target_semaphore(%arg15 : memref<!tpu.dma_semaphore, #tpu.memory_space<semaphore_mem>>)
        %add3A_380 = arith.constant 15 : i32
        %add3A_381 = arith.addi %mul3A_48, %add3A_380 : i32
        %slice3A_382 = vector.extract_strided_slice %get3A_50 {offsets = [15], sizes = [1], strides = [1]} : vector<16xi32> to vector<1xi32>
        %squeeze3A_383 = vector.extract %slice3A_382[0] : i32 from vector<1xi32>
        %dma_start3A_384 = arith.constant 0 : i32
        %dma_start3A_385 = tpu.memref_slice %arg10[%add3A_381, %dma_start3A_384] : memref<128x32xf32, #tpu.memory_space<vmem>> -> memref<1x32xf32, #tpu.memory_space<vmem>>
        %dma_start3A_386 = arith.constant 0 : i32
        %dma_start3A_387 = tpu.memref_slice %arg4[%squeeze3A_383, %dma_start3A_386] : memref<1000000x32xf32, #tpu.memory_space<hbm>> -> memref<1x32xf32, #tpu.memory_space<hbm>>
        %dma_start3A_388 = arith.constant 0 : i32
        %dma_start3A_389 = tpu.memref_slice %arg10[%add3A_381, %dma_start3A_388] : memref<128x32xf32, #tpu.memory_space<vmem>> -> memref<1x32xf32, #tpu.memory_space<vmem>>
        %dma_start3A_390 = arith.constant 0 : i32
        %dma_start3A_391 = tpu.memref_slice %arg4[%squeeze3A_383, %dma_start3A_390] : memref<1000000x32xf32, #tpu.memory_space<hbm>> -> memref<1x32xf32, #tpu.memory_space<hbm>>
        tpu.enqueue_dma source(%dma_start3A_391 : memref<1x32xf32, #tpu.memory_space<hbm>>) target(%dma_start3A_389 : memref<1x32xf32, #tpu.memory_space<vmem>>) target_semaphore(%arg14 : memref<!tpu.dma_semaphore, #tpu.memory_space<semaphore_mem>>)
        %slice3A_392 = vector.extract_strided_slice %get3A_52 {offsets = [15], sizes = [1], strides = [1]} : vector<16xi32> to vector<1xi32>
        %squeeze3A_393 = vector.extract %slice3A_392[0] : i32 from vector<1xi32>
        %dma_start3A_394 = arith.constant 0 : i32
        %dma_start3A_395 = tpu.memref_slice %arg11[%add3A_381, %dma_start3A_394] : memref<128x32xf32, #tpu.memory_space<vmem>> -> memref<1x32xf32, #tpu.memory_space<vmem>>
        %dma_start3A_396 = arith.constant 0 : i32
        %dma_start3A_397 = tpu.memref_slice %arg5[%squeeze3A_393, %dma_start3A_396] : memref<1000000x32xf32, #tpu.memory_space<hbm>> -> memref<1x32xf32, #tpu.memory_space<hbm>>
        %dma_start3A_398 = arith.constant 0 : i32
        %dma_start3A_399 = tpu.memref_slice %arg11[%add3A_381, %dma_start3A_398] : memref<128x32xf32, #tpu.memory_space<vmem>> -> memref<1x32xf32, #tpu.memory_space<vmem>>
        %dma_start3A_400 = arith.constant 0 : i32
        %dma_start3A_401 = tpu.memref_slice %arg5[%squeeze3A_393, %dma_start3A_400] : memref<1000000x32xf32, #tpu.memory_space<hbm>> -> memref<1x32xf32, #tpu.memory_space<hbm>>
        tpu.enqueue_dma source(%dma_start3A_401 : memref<1x32xf32, #tpu.memory_space<hbm>>) target(%dma_start3A_399 : memref<1x32xf32, #tpu.memory_space<vmem>>) target_semaphore(%arg15 : memref<!tpu.dma_semaphore, #tpu.memory_space<semaphore_mem>>)
      }
      %scan3A_28 = arith.constant 8 : i32
      %dma_wait3A = arith.constant 0 : i32
      %dma_wait3A_29 = arith.constant 0 : i32
      %dma_wait3A_30 = tpu.memref_slice %arg4[%dma_wait3A, %dma_wait3A_29] : memref<1000000x32xf32, #tpu.memory_space<hbm>> -> memref<128x32xf32, #tpu.memory_space<hbm>>
      %dma_wait3A_31 = arith.constant 0 : i32
      %dma_wait3A_32 = arith.constant 0 : i32
      %dma_wait3A_33 = tpu.memref_slice %arg4[%dma_wait3A_31, %dma_wait3A_32] : memref<1000000x32xf32, #tpu.memory_space<hbm>> -> memref<128x32xf32, #tpu.memory_space<hbm>>
      tpu.wait_dma2 semaphore(%arg14 : memref<!tpu.dma_semaphore, #tpu.memory_space<semaphore_mem>>) src(%dma_wait3A_33 : memref<128x32xf32, #tpu.memory_space<hbm>>) dst(%arg10 : memref<128x32xf32, #tpu.memory_space<vmem>>)
      %dma_wait3A_34 = arith.constant 0 : i32
      %dma_wait3A_35 = arith.constant 0 : i32
      %dma_wait3A_36 = tpu.memref_slice %arg5[%dma_wait3A_34, %dma_wait3A_35] : memref<1000000x32xf32, #tpu.memory_space<hbm>> -> memref<128x32xf32, #tpu.memory_space<hbm>>
      %dma_wait3A_37 = arith.constant 0 : i32
      %dma_wait3A_38 = arith.constant 0 : i32
      %dma_wait3A_39 = tpu.memref_slice %arg5[%dma_wait3A_37, %dma_wait3A_38] : memref<1000000x32xf32, #tpu.memory_space<hbm>> -> memref<128x32xf32, #tpu.memory_space<hbm>>
      tpu.wait_dma2 semaphore(%arg15 : memref<!tpu.dma_semaphore, #tpu.memory_space<semaphore_mem>>) src(%dma_wait3A_39 : memref<128x32xf32, #tpu.memory_space<hbm>>) dst(%arg11 : memref<128x32xf32, #tpu.memory_space<vmem>>)
      %scan3A_40 = arith.constant 0 : i32
      %scan3A_41 = arith.constant 0 : i32
      %scan3A_42 = arith.constant 8 : i32
      %scan3A_43 = arith.addi %scan3A_41, %scan3A_42 : i32
      %scan3A_44 = arith.constant 1 : i32
      scf.for %scan3A_46 = %scan3A_41 to %scan3A_43 step %scan3A_44  : i32 {
        %mul3A_47 = arith.constant 16 : i32
        %mul3A_48 = arith.muli %scan3A_46, %mul3A_47 : i32
        %broadcast_in_dim3A = arith.constant 0.000000e+00 : f32
        %broadcast_in_dim3A_49 = vector.broadcast %broadcast_in_dim3A : f32 to vector<16xf32>
        %add3A_50 = arith.constant 0 : i32
        %add3A_51 = arith.addi %mul3A_48, %add3A_50 : i32
        %get3A_52 = arith.index_cast %add3A_51 : i32 to index
        %get3A_53 = arith.constant 0 : index
        %get3A_54 = tpu.vector_load %arg10[%get3A_52, %get3A_53] {strides = array<i32>} : memref<128x32xf32, #tpu.memory_space<vmem>>, vector<16xf32>,
        %get3A_55 = arith.index_cast %add3A_51 : i32 to index
        %get3A_56 = arith.constant 16 : index
        %get3A_57 = tpu.vector_load %arg10[%get3A_55, %get3A_56] {strides = array<i32>} : memref<128x32xf32, #tpu.memory_space<vmem>>, vector<16xf32>,
        %get3A_58 = arith.index_cast %add3A_51 : i32 to index
        %get3A_59 = arith.constant 0 : index
        %get3A_60 = tpu.vector_load %arg11[%get3A_58, %get3A_59] {strides = array<i32>} : memref<128x32xf32, #tpu.memory_space<vmem>>, vector<16xf32>,
        %get3A_61 = arith.index_cast %add3A_51 : i32 to index
        %get3A_62 = arith.constant 16 : index
        %get3A_63 = tpu.vector_load %arg11[%get3A_61, %get3A_62] {strides = array<i32>} : memref<128x32xf32, #tpu.memory_space<vmem>>, vector<16xf32>,
        %mul3A_64 = arith.mulf %get3A_54, %get3A_60 : vector<16xf32>
        %mul3A_65 = arith.mulf %mul3A_64, %get3A_5 : vector<16xf32>
        %mul3A_66 = arith.mulf %get3A_57, %get3A_63 : vector<16xf32>
        %mul3A_67 = arith.mulf %mul3A_66, %get3A_9 : vector<16xf32>
        %add3A_68 = arith.addf %mul3A_65, %mul3A_67 : vector<16xf32>
        %add3A_69 = arith.addf %add3A_68, %get3A_13 : vector<16xf32>
        %reduce_sum3A = arith.constant true
        %reduce_sum3A_70 = vector.broadcast %reduce_sum3A : i1 to vector<16xi1>
        %reduce_sum3A_71 = tpu.scan <sum>, %add3A_69 masked %reduce_sum3A_70 : vector<16xf32>, vector<16xi1> -> vector<16xf32>
        %reduce_sum3A_72 = vector.extract %reduce_sum3A_71[15] : f32 from vector<16xf32>
        %eq3A = arith.constant 0 : i32
        %eq3A_73 = vector.broadcast %eq3A : i32 to vector<16xi32>
        %eq3A_74 = arith.cmpi eq, %iota3A, %eq3A_73 : vector<16xi32>
        %broadcast_in_dim3A_75 = vector.broadcast %reduce_sum3A_72 : f32 to vector<16xf32>
        %select_n3A = arith.select %eq3A_74, %broadcast_in_dim3A_75, %broadcast_in_dim3A_49 : vector<16xi1>, vector<16xf32>
        %add3A_76 = arith.constant 1 : i32
        %add3A_77 = arith.addi %mul3A_48, %add3A_76 : i32
        %get3A_78 = arith.index_cast %add3A_77 : i32 to index
        %get3A_79 = arith.constant 0 : index
        %get3A_80 = tpu.vector_load %arg10[%get3A_78, %get3A_79] {strides = array<i32>} : memref<128x32xf32, #tpu.memory_space<vmem>>, vector<16xf32>,
        %get3A_81 = arith.index_cast %add3A_77 : i32 to index
        %get3A_82 = arith.constant 16 : index
        %get3A_83 = tpu.vector_load %arg10[%get3A_81, %get3A_82] {strides = array<i32>} : memref<128x32xf32, #tpu.memory_space<vmem>>, vector<16xf32>,
        %get3A_84 = arith.index_cast %add3A_77 : i32 to index
        %get3A_85 = arith.constant 0 : index
        %get3A_86 = tpu.vector_load %arg11[%get3A_84, %get3A_85] {strides = array<i32>} : memref<128x32xf32, #tpu.memory_space<vmem>>, vector<16xf32>,
        %get3A_87 = arith.index_cast %add3A_77 : i32 to index
        %get3A_88 = arith.constant 16 : index
        %get3A_89 = tpu.vector_load %arg11[%get3A_87, %get3A_88] {strides = array<i32>} : memref<128x32xf32, #tpu.memory_space<vmem>>, vector<16xf32>,
        %mul3A_90 = arith.mulf %get3A_80, %get3A_86 : vector<16xf32>
        %mul3A_91 = arith.mulf %mul3A_90, %get3A_5 : vector<16xf32>
        %mul3A_92 = arith.mulf %get3A_83, %get3A_89 : vector<16xf32>
        %mul3A_93 = arith.mulf %mul3A_92, %get3A_9 : vector<16xf32>
        %add3A_94 = arith.addf %mul3A_91, %mul3A_93 : vector<16xf32>
        %add3A_95 = arith.addf %add3A_94, %get3A_13 : vector<16xf32>
        %reduce_sum3A_96 = arith.constant true
        %reduce_sum3A_97 = vector.broadcast %reduce_sum3A_96 : i1 to vector<16xi1>
        %reduce_sum3A_98 = tpu.scan <sum>, %add3A_95 masked %reduce_sum3A_97 : vector<16xf32>, vector<16xi1> -> vector<16xf32>
        %reduce_sum3A_99 = vector.extract %reduce_sum3A_98[15] : f32 from vector<16xf32>
        %eq3A_100 = arith.constant 1 : i32
        %eq3A_101 = vector.broadcast %eq3A_100 : i32 to vector<16xi32>
        %eq3A_102 = arith.cmpi eq, %iota3A, %eq3A_101 : vector<16xi32>
        %broadcast_in_dim3A_103 = vector.broadcast %reduce_sum3A_99 : f32 to vector<16xf32>
        %select_n3A_104 = arith.select %eq3A_102, %broadcast_in_dim3A_103, %select_n3A : vector<16xi1>, vector<16xf32>
        %add3A_105 = arith.constant 2 : i32
        %add3A_106 = arith.addi %mul3A_48, %add3A_105 : i32
        %get3A_107 = arith.index_cast %add3A_106 : i32 to index
        %get3A_108 = arith.constant 0 : index
        %get3A_109 = tpu.vector_load %arg10[%get3A_107, %get3A_108] {strides = array<i32>} : memref<128x32xf32, #tpu.memory_space<vmem>>, vector<16xf32>,
        %get3A_110 = arith.index_cast %add3A_106 : i32 to index
        %get3A_111 = arith.constant 16 : index
        %get3A_112 = tpu.vector_load %arg10[%get3A_110, %get3A_111] {strides = array<i32>} : memref<128x32xf32, #tpu.memory_space<vmem>>, vector<16xf32>,
        %get3A_113 = arith.index_cast %add3A_106 : i32 to index
        %get3A_114 = arith.constant 0 : index
        %get3A_115 = tpu.vector_load %arg11[%get3A_113, %get3A_114] {strides = array<i32>} : memref<128x32xf32, #tpu.memory_space<vmem>>, vector<16xf32>,
        %get3A_116 = arith.index_cast %add3A_106 : i32 to index
        %get3A_117 = arith.constant 16 : index
        %get3A_118 = tpu.vector_load %arg11[%get3A_116, %get3A_117] {strides = array<i32>} : memref<128x32xf32, #tpu.memory_space<vmem>>, vector<16xf32>,
        %mul3A_119 = arith.mulf %get3A_109, %get3A_115 : vector<16xf32>
        %mul3A_120 = arith.mulf %mul3A_119, %get3A_5 : vector<16xf32>
        %mul3A_121 = arith.mulf %get3A_112, %get3A_118 : vector<16xf32>
        %mul3A_122 = arith.mulf %mul3A_121, %get3A_9 : vector<16xf32>
        %add3A_123 = arith.addf %mul3A_120, %mul3A_122 : vector<16xf32>
        %add3A_124 = arith.addf %add3A_123, %get3A_13 : vector<16xf32>
        %reduce_sum3A_125 = arith.constant true
        %reduce_sum3A_126 = vector.broadcast %reduce_sum3A_125 : i1 to vector<16xi1>
        %reduce_sum3A_127 = tpu.scan <sum>, %add3A_124 masked %reduce_sum3A_126 : vector<16xf32>, vector<16xi1> -> vector<16xf32>
        %reduce_sum3A_128 = vector.extract %reduce_sum3A_127[15] : f32 from vector<16xf32>
        %eq3A_129 = arith.constant 2 : i32
        %eq3A_130 = vector.broadcast %eq3A_129 : i32 to vector<16xi32>
        %eq3A_131 = arith.cmpi eq, %iota3A, %eq3A_130 : vector<16xi32>
        %broadcast_in_dim3A_132 = vector.broadcast %reduce_sum3A_128 : f32 to vector<16xf32>
        %select_n3A_133 = arith.select %eq3A_131, %broadcast_in_dim3A_132, %select_n3A_104 : vector<16xi1>, vector<16xf32>
        %add3A_134 = arith.constant 3 : i32
        %add3A_135 = arith.addi %mul3A_48, %add3A_134 : i32
        %get3A_136 = arith.index_cast %add3A_135 : i32 to index
        %get3A_137 = arith.constant 0 : index
        %get3A_138 = tpu.vector_load %arg10[%get3A_136, %get3A_137] {strides = array<i32>} : memref<128x32xf32, #tpu.memory_space<vmem>>, vector<16xf32>,
        %get3A_139 = arith.index_cast %add3A_135 : i32 to index
        %get3A_140 = arith.constant 16 : index
        %get3A_141 = tpu.vector_load %arg10[%get3A_139, %get3A_140] {strides = array<i32>} : memref<128x32xf32, #tpu.memory_space<vmem>>, vector<16xf32>,
        %get3A_142 = arith.index_cast %add3A_135 : i32 to index
        %get3A_143 = arith.constant 0 : index
        %get3A_144 = tpu.vector_load %arg11[%get3A_142, %get3A_143] {strides = array<i32>} : memref<128x32xf32, #tpu.memory_space<vmem>>, vector<16xf32>,
        %get3A_145 = arith.index_cast %add3A_135 : i32 to index
        %get3A_146 = arith.constant 16 : index
        %get3A_147 = tpu.vector_load %arg11[%get3A_145, %get3A_146] {strides = array<i32>} : memref<128x32xf32, #tpu.memory_space<vmem>>, vector<16xf32>,
        %mul3A_148 = arith.mulf %get3A_138, %get3A_144 : vector<16xf32>
        %mul3A_149 = arith.mulf %mul3A_148, %get3A_5 : vector<16xf32>
        %mul3A_150 = arith.mulf %get3A_141, %get3A_147 : vector<16xf32>
        %mul3A_151 = arith.mulf %mul3A_150, %get3A_9 : vector<16xf32>
        %add3A_152 = arith.addf %mul3A_149, %mul3A_151 : vector<16xf32>
        %add3A_153 = arith.addf %add3A_152, %get3A_13 : vector<16xf32>
        %reduce_sum3A_154 = arith.constant true
        %reduce_sum3A_155 = vector.broadcast %reduce_sum3A_154 : i1 to vector<16xi1>
        %reduce_sum3A_156 = tpu.scan <sum>, %add3A_153 masked %reduce_sum3A_155 : vector<16xf32>, vector<16xi1> -> vector<16xf32>
        %reduce_sum3A_157 = vector.extract %reduce_sum3A_156[15] : f32 from vector<16xf32>
        %eq3A_158 = arith.constant 3 : i32
        %eq3A_159 = vector.broadcast %eq3A_158 : i32 to vector<16xi32>
        %eq3A_160 = arith.cmpi eq, %iota3A, %eq3A_159 : vector<16xi32>
        %broadcast_in_dim3A_161 = vector.broadcast %reduce_sum3A_157 : f32 to vector<16xf32>
        %select_n3A_162 = arith.select %eq3A_160, %broadcast_in_dim3A_161, %select_n3A_133 : vector<16xi1>, vector<16xf32>
        %add3A_163 = arith.constant 4 : i32
        %add3A_164 = arith.addi %mul3A_48, %add3A_163 : i32
        %get3A_165 = arith.index_cast %add3A_164 : i32 to index
        %get3A_166 = arith.constant 0 : index
        %get3A_167 = tpu.vector_load %arg10[%get3A_165, %get3A_166] {strides = array<i32>} : memref<128x32xf32, #tpu.memory_space<vmem>>, vector<16xf32>,
        %get3A_168 = arith.index_cast %add3A_164 : i32 to index
        %get3A_169 = arith.constant 16 : index
        %get3A_170 = tpu.vector_load %arg10[%get3A_168, %get3A_169] {strides = array<i32>} : memref<128x32xf32, #tpu.memory_space<vmem>>, vector<16xf32>,
        %get3A_171 = arith.index_cast %add3A_164 : i32 to index
        %get3A_172 = arith.constant 0 : index
        %get3A_173 = tpu.vector_load %arg11[%get3A_171, %get3A_172] {strides = array<i32>} : memref<128x32xf32, #tpu.memory_space<vmem>>, vector<16xf32>,
        %get3A_174 = arith.index_cast %add3A_164 : i32 to index
        %get3A_175 = arith.constant 16 : index
        %get3A_176 = tpu.vector_load %arg11[%get3A_174, %get3A_175] {strides = array<i32>} : memref<128x32xf32, #tpu.memory_space<vmem>>, vector<16xf32>,
        %mul3A_177 = arith.mulf %get3A_167, %get3A_173 : vector<16xf32>
        %mul3A_178 = arith.mulf %mul3A_177, %get3A_5 : vector<16xf32>
        %mul3A_179 = arith.mulf %get3A_170, %get3A_176 : vector<16xf32>
        %mul3A_180 = arith.mulf %mul3A_179, %get3A_9 : vector<16xf32>
        %add3A_181 = arith.addf %mul3A_178, %mul3A_180 : vector<16xf32>
        %add3A_182 = arith.addf %add3A_181, %get3A_13 : vector<16xf32>
        %reduce_sum3A_183 = arith.constant true
        %reduce_sum3A_184 = vector.broadcast %reduce_sum3A_183 : i1 to vector<16xi1>
        %reduce_sum3A_185 = tpu.scan <sum>, %add3A_182 masked %reduce_sum3A_184 : vector<16xf32>, vector<16xi1> -> vector<16xf32>
        %reduce_sum3A_186 = vector.extract %reduce_sum3A_185[15] : f32 from vector<16xf32>
        %eq3A_187 = arith.constant 4 : i32
        %eq3A_188 = vector.broadcast %eq3A_187 : i32 to vector<16xi32>
        %eq3A_189 = arith.cmpi eq, %iota3A, %eq3A_188 : vector<16xi32>
        %broadcast_in_dim3A_190 = vector.broadcast %reduce_sum3A_186 : f32 to vector<16xf32>
        %select_n3A_191 = arith.select %eq3A_189, %broadcast_in_dim3A_190, %select_n3A_162 : vector<16xi1>, vector<16xf32>
        %add3A_192 = arith.constant 5 : i32
        %add3A_193 = arith.addi %mul3A_48, %add3A_192 : i32
        %get3A_194 = arith.index_cast %add3A_193 : i32 to index
        %get3A_195 = arith.constant 0 : index
        %get3A_196 = tpu.vector_load %arg10[%get3A_194, %get3A_195] {strides = array<i32>} : memref<128x32xf32, #tpu.memory_space<vmem>>, vector<16xf32>,
        %get3A_197 = arith.index_cast %add3A_193 : i32 to index
        %get3A_198 = arith.constant 16 : index
        %get3A_199 = tpu.vector_load %arg10[%get3A_197, %get3A_198] {strides = array<i32>} : memref<128x32xf32, #tpu.memory_space<vmem>>, vector<16xf32>,
        %get3A_200 = arith.index_cast %add3A_193 : i32 to index
        %get3A_201 = arith.constant 0 : index
        %get3A_202 = tpu.vector_load %arg11[%get3A_200, %get3A_201] {strides = array<i32>} : memref<128x32xf32, #tpu.memory_space<vmem>>, vector<16xf32>,
        %get3A_203 = arith.index_cast %add3A_193 : i32 to index
        %get3A_204 = arith.constant 16 : index
        %get3A_205 = tpu.vector_load %arg11[%get3A_203, %get3A_204] {strides = array<i32>} : memref<128x32xf32, #tpu.memory_space<vmem>>, vector<16xf32>,
        %mul3A_206 = arith.mulf %get3A_196, %get3A_202 : vector<16xf32>
        %mul3A_207 = arith.mulf %mul3A_206, %get3A_5 : vector<16xf32>
        %mul3A_208 = arith.mulf %get3A_199, %get3A_205 : vector<16xf32>
        %mul3A_209 = arith.mulf %mul3A_208, %get3A_9 : vector<16xf32>
        %add3A_210 = arith.addf %mul3A_207, %mul3A_209 : vector<16xf32>
        %add3A_211 = arith.addf %add3A_210, %get3A_13 : vector<16xf32>
        %reduce_sum3A_212 = arith.constant true
        %reduce_sum3A_213 = vector.broadcast %reduce_sum3A_212 : i1 to vector<16xi1>
        %reduce_sum3A_214 = tpu.scan <sum>, %add3A_211 masked %reduce_sum3A_213 : vector<16xf32>, vector<16xi1> -> vector<16xf32>
        %reduce_sum3A_215 = vector.extract %reduce_sum3A_214[15] : f32 from vector<16xf32>
        %eq3A_216 = arith.constant 5 : i32
        %eq3A_217 = vector.broadcast %eq3A_216 : i32 to vector<16xi32>
        %eq3A_218 = arith.cmpi eq, %iota3A, %eq3A_217 : vector<16xi32>
        %broadcast_in_dim3A_219 = vector.broadcast %reduce_sum3A_215 : f32 to vector<16xf32>
        %select_n3A_220 = arith.select %eq3A_218, %broadcast_in_dim3A_219, %select_n3A_191 : vector<16xi1>, vector<16xf32>
        %add3A_221 = arith.constant 6 : i32
        %add3A_222 = arith.addi %mul3A_48, %add3A_221 : i32
        %get3A_223 = arith.index_cast %add3A_222 : i32 to index
        %get3A_224 = arith.constant 0 : index
        %get3A_225 = tpu.vector_load %arg10[%get3A_223, %get3A_224] {strides = array<i32>} : memref<128x32xf32, #tpu.memory_space<vmem>>, vector<16xf32>,
        %get3A_226 = arith.index_cast %add3A_222 : i32 to index
        %get3A_227 = arith.constant 16 : index
        %get3A_228 = tpu.vector_load %arg10[%get3A_226, %get3A_227] {strides = array<i32>} : memref<128x32xf32, #tpu.memory_space<vmem>>, vector<16xf32>,
        %get3A_229 = arith.index_cast %add3A_222 : i32 to index
        %get3A_230 = arith.constant 0 : index
        %get3A_231 = tpu.vector_load %arg11[%get3A_229, %get3A_230] {strides = array<i32>} : memref<128x32xf32, #tpu.memory_space<vmem>>, vector<16xf32>,
        %get3A_232 = arith.index_cast %add3A_222 : i32 to index
        %get3A_233 = arith.constant 16 : index
        %get3A_234 = tpu.vector_load %arg11[%get3A_232, %get3A_233] {strides = array<i32>} : memref<128x32xf32, #tpu.memory_space<vmem>>, vector<16xf32>,
        %mul3A_235 = arith.mulf %get3A_225, %get3A_231 : vector<16xf32>
        %mul3A_236 = arith.mulf %mul3A_235, %get3A_5 : vector<16xf32>
        %mul3A_237 = arith.mulf %get3A_228, %get3A_234 : vector<16xf32>
        %mul3A_238 = arith.mulf %mul3A_237, %get3A_9 : vector<16xf32>
        %add3A_239 = arith.addf %mul3A_236, %mul3A_238 : vector<16xf32>
        %add3A_240 = arith.addf %add3A_239, %get3A_13 : vector<16xf32>
        %reduce_sum3A_241 = arith.constant true
        %reduce_sum3A_242 = vector.broadcast %reduce_sum3A_241 : i1 to vector<16xi1>
        %reduce_sum3A_243 = tpu.scan <sum>, %add3A_240 masked %reduce_sum3A_242 : vector<16xf32>, vector<16xi1> -> vector<16xf32>
        %reduce_sum3A_244 = vector.extract %reduce_sum3A_243[15] : f32 from vector<16xf32>
        %eq3A_245 = arith.constant 6 : i32
        %eq3A_246 = vector.broadcast %eq3A_245 : i32 to vector<16xi32>
        %eq3A_247 = arith.cmpi eq, %iota3A, %eq3A_246 : vector<16xi32>
        %broadcast_in_dim3A_248 = vector.broadcast %reduce_sum3A_244 : f32 to vector<16xf32>
        %select_n3A_249 = arith.select %eq3A_247, %broadcast_in_dim3A_248, %select_n3A_220 : vector<16xi1>, vector<16xf32>
        %add3A_250 = arith.constant 7 : i32
        %add3A_251 = arith.addi %mul3A_48, %add3A_250 : i32
        %get3A_252 = arith.index_cast %add3A_251 : i32 to index
        %get3A_253 = arith.constant 0 : index
        %get3A_254 = tpu.vector_load %arg10[%get3A_252, %get3A_253] {strides = array<i32>} : memref<128x32xf32, #tpu.memory_space<vmem>>, vector<16xf32>,
        %get3A_255 = arith.index_cast %add3A_251 : i32 to index
        %get3A_256 = arith.constant 16 : index
        %get3A_257 = tpu.vector_load %arg10[%get3A_255, %get3A_256] {strides = array<i32>} : memref<128x32xf32, #tpu.memory_space<vmem>>, vector<16xf32>,
        %get3A_258 = arith.index_cast %add3A_251 : i32 to index
        %get3A_259 = arith.constant 0 : index
        %get3A_260 = tpu.vector_load %arg11[%get3A_258, %get3A_259] {strides = array<i32>} : memref<128x32xf32, #tpu.memory_space<vmem>>, vector<16xf32>,
        %get3A_261 = arith.index_cast %add3A_251 : i32 to index
        %get3A_262 = arith.constant 16 : index
        %get3A_263 = tpu.vector_load %arg11[%get3A_261, %get3A_262] {strides = array<i32>} : memref<128x32xf32, #tpu.memory_space<vmem>>, vector<16xf32>,
        %mul3A_264 = arith.mulf %get3A_254, %get3A_260 : vector<16xf32>
        %mul3A_265 = arith.mulf %mul3A_264, %get3A_5 : vector<16xf32>
        %mul3A_266 = arith.mulf %get3A_257, %get3A_263 : vector<16xf32>
        %mul3A_267 = arith.mulf %mul3A_266, %get3A_9 : vector<16xf32>
        %add3A_268 = arith.addf %mul3A_265, %mul3A_267 : vector<16xf32>
        %add3A_269 = arith.addf %add3A_268, %get3A_13 : vector<16xf32>
        %reduce_sum3A_270 = arith.constant true
        %reduce_sum3A_271 = vector.broadcast %reduce_sum3A_270 : i1 to vector<16xi1>
        %reduce_sum3A_272 = tpu.scan <sum>, %add3A_269 masked %reduce_sum3A_271 : vector<16xf32>, vector<16xi1> -> vector<16xf32>
        %reduce_sum3A_273 = vector.extract %reduce_sum3A_272[15] : f32 from vector<16xf32>
        %eq3A_274 = arith.constant 7 : i32
        %eq3A_275 = vector.broadcast %eq3A_274 : i32 to vector<16xi32>
        %eq3A_276 = arith.cmpi eq, %iota3A, %eq3A_275 : vector<16xi32>
        %broadcast_in_dim3A_277 = vector.broadcast %reduce_sum3A_273 : f32 to vector<16xf32>
        %select_n3A_278 = arith.select %eq3A_276, %broadcast_in_dim3A_277, %select_n3A_249 : vector<16xi1>, vector<16xf32>
        %add3A_279 = arith.constant 8 : i32
        %add3A_280 = arith.addi %mul3A_48, %add3A_279 : i32
        %get3A_281 = arith.index_cast %add3A_280 : i32 to index
        %get3A_282 = arith.constant 0 : index
        %get3A_283 = tpu.vector_load %arg10[%get3A_281, %get3A_282] {strides = array<i32>} : memref<128x32xf32, #tpu.memory_space<vmem>>, vector<16xf32>,
        %get3A_284 = arith.index_cast %add3A_280 : i32 to index
        %get3A_285 = arith.constant 16 : index
        %get3A_286 = tpu.vector_load %arg10[%get3A_284, %get3A_285] {strides = array<i32>} : memref<128x32xf32, #tpu.memory_space<vmem>>, vector<16xf32>,
        %get3A_287 = arith.index_cast %add3A_280 : i32 to index
        %get3A_288 = arith.constant 0 : index
        %get3A_289 = tpu.vector_load %arg11[%get3A_287, %get3A_288] {strides = array<i32>} : memref<128x32xf32, #tpu.memory_space<vmem>>, vector<16xf32>,
        %get3A_290 = arith.index_cast %add3A_280 : i32 to index
        %get3A_291 = arith.constant 16 : index
        %get3A_292 = tpu.vector_load %arg11[%get3A_290, %get3A_291] {strides = array<i32>} : memref<128x32xf32, #tpu.memory_space<vmem>>, vector<16xf32>,
        %mul3A_293 = arith.mulf %get3A_283, %get3A_289 : vector<16xf32>
        %mul3A_294 = arith.mulf %mul3A_293, %get3A_5 : vector<16xf32>
        %mul3A_295 = arith.mulf %get3A_286, %get3A_292 : vector<16xf32>
        %mul3A_296 = arith.mulf %mul3A_295, %get3A_9 : vector<16xf32>
        %add3A_297 = arith.addf %mul3A_294, %mul3A_296 : vector<16xf32>
        %add3A_298 = arith.addf %add3A_297, %get3A_13 : vector<16xf32>
        %reduce_sum3A_299 = arith.constant true
        %reduce_sum3A_300 = vector.broadcast %reduce_sum3A_299 : i1 to vector<16xi1>
        %reduce_sum3A_301 = tpu.scan <sum>, %add3A_298 masked %reduce_sum3A_300 : vector<16xf32>, vector<16xi1> -> vector<16xf32>
        %reduce_sum3A_302 = vector.extract %reduce_sum3A_301[15] : f32 from vector<16xf32>
        %eq3A_303 = arith.constant 8 : i32
        %eq3A_304 = vector.broadcast %eq3A_303 : i32 to vector<16xi32>
        %eq3A_305 = arith.cmpi eq, %iota3A, %eq3A_304 : vector<16xi32>
        %broadcast_in_dim3A_306 = vector.broadcast %reduce_sum3A_302 : f32 to vector<16xf32>
        %select_n3A_307 = arith.select %eq3A_305, %broadcast_in_dim3A_306, %select_n3A_278 : vector<16xi1>, vector<16xf32>
        %add3A_308 = arith.constant 9 : i32
        %add3A_309 = arith.addi %mul3A_48, %add3A_308 : i32
        %get3A_310 = arith.index_cast %add3A_309 : i32 to index
        %get3A_311 = arith.constant 0 : index
        %get3A_312 = tpu.vector_load %arg10[%get3A_310, %get3A_311] {strides = array<i32>} : memref<128x32xf32, #tpu.memory_space<vmem>>, vector<16xf32>,
        %get3A_313 = arith.index_cast %add3A_309 : i32 to index
        %get3A_314 = arith.constant 16 : index
        %get3A_315 = tpu.vector_load %arg10[%get3A_313, %get3A_314] {strides = array<i32>} : memref<128x32xf32, #tpu.memory_space<vmem>>, vector<16xf32>,
        %get3A_316 = arith.index_cast %add3A_309 : i32 to index
        %get3A_317 = arith.constant 0 : index
        %get3A_318 = tpu.vector_load %arg11[%get3A_316, %get3A_317] {strides = array<i32>} : memref<128x32xf32, #tpu.memory_space<vmem>>, vector<16xf32>,
        %get3A_319 = arith.index_cast %add3A_309 : i32 to index
        %get3A_320 = arith.constant 16 : index
        %get3A_321 = tpu.vector_load %arg11[%get3A_319, %get3A_320] {strides = array<i32>} : memref<128x32xf32, #tpu.memory_space<vmem>>, vector<16xf32>,
        %mul3A_322 = arith.mulf %get3A_312, %get3A_318 : vector<16xf32>
        %mul3A_323 = arith.mulf %mul3A_322, %get3A_5 : vector<16xf32>
        %mul3A_324 = arith.mulf %get3A_315, %get3A_321 : vector<16xf32>
        %mul3A_325 = arith.mulf %mul3A_324, %get3A_9 : vector<16xf32>
        %add3A_326 = arith.addf %mul3A_323, %mul3A_325 : vector<16xf32>
        %add3A_327 = arith.addf %add3A_326, %get3A_13 : vector<16xf32>
        %reduce_sum3A_328 = arith.constant true
        %reduce_sum3A_329 = vector.broadcast %reduce_sum3A_328 : i1 to vector<16xi1>
        %reduce_sum3A_330 = tpu.scan <sum>, %add3A_327 masked %reduce_sum3A_329 : vector<16xf32>, vector<16xi1> -> vector<16xf32>
        %reduce_sum3A_331 = vector.extract %reduce_sum3A_330[15] : f32 from vector<16xf32>
        %eq3A_332 = arith.constant 9 : i32
        %eq3A_333 = vector.broadcast %eq3A_332 : i32 to vector<16xi32>
        %eq3A_334 = arith.cmpi eq, %iota3A, %eq3A_333 : vector<16xi32>
        %broadcast_in_dim3A_335 = vector.broadcast %reduce_sum3A_331 : f32 to vector<16xf32>
        %select_n3A_336 = arith.select %eq3A_334, %broadcast_in_dim3A_335, %select_n3A_307 : vector<16xi1>, vector<16xf32>
        %add3A_337 = arith.constant 10 : i32
        %add3A_338 = arith.addi %mul3A_48, %add3A_337 : i32
        %get3A_339 = arith.index_cast %add3A_338 : i32 to index
        %get3A_340 = arith.constant 0 : index
        %get3A_341 = tpu.vector_load %arg10[%get3A_339, %get3A_340] {strides = array<i32>} : memref<128x32xf32, #tpu.memory_space<vmem>>, vector<16xf32>,
        %get3A_342 = arith.index_cast %add3A_338 : i32 to index
        %get3A_343 = arith.constant 16 : index
        %get3A_344 = tpu.vector_load %arg10[%get3A_342, %get3A_343] {strides = array<i32>} : memref<128x32xf32, #tpu.memory_space<vmem>>, vector<16xf32>,
        %get3A_345 = arith.index_cast %add3A_338 : i32 to index
        %get3A_346 = arith.constant 0 : index
        %get3A_347 = tpu.vector_load %arg11[%get3A_345, %get3A_346] {strides = array<i32>} : memref<128x32xf32, #tpu.memory_space<vmem>>, vector<16xf32>,
        %get3A_348 = arith.index_cast %add3A_338 : i32 to index
        %get3A_349 = arith.constant 16 : index
        %get3A_350 = tpu.vector_load %arg11[%get3A_348, %get3A_349] {strides = array<i32>} : memref<128x32xf32, #tpu.memory_space<vmem>>, vector<16xf32>,
        %mul3A_351 = arith.mulf %get3A_341, %get3A_347 : vector<16xf32>
        %mul3A_352 = arith.mulf %mul3A_351, %get3A_5 : vector<16xf32>
        %mul3A_353 = arith.mulf %get3A_344, %get3A_350 : vector<16xf32>
        %mul3A_354 = arith.mulf %mul3A_353, %get3A_9 : vector<16xf32>
        %add3A_355 = arith.addf %mul3A_352, %mul3A_354 : vector<16xf32>
        %add3A_356 = arith.addf %add3A_355, %get3A_13 : vector<16xf32>
        %reduce_sum3A_357 = arith.constant true
        %reduce_sum3A_358 = vector.broadcast %reduce_sum3A_357 : i1 to vector<16xi1>
        %reduce_sum3A_359 = tpu.scan <sum>, %add3A_356 masked %reduce_sum3A_358 : vector<16xf32>, vector<16xi1> -> vector<16xf32>
        %reduce_sum3A_360 = vector.extract %reduce_sum3A_359[15] : f32 from vector<16xf32>
        %eq3A_361 = arith.constant 10 : i32
        %eq3A_362 = vector.broadcast %eq3A_361 : i32 to vector<16xi32>
        %eq3A_363 = arith.cmpi eq, %iota3A, %eq3A_362 : vector<16xi32>
        %broadcast_in_dim3A_364 = vector.broadcast %reduce_sum3A_360 : f32 to vector<16xf32>
        %select_n3A_365 = arith.select %eq3A_363, %broadcast_in_dim3A_364, %select_n3A_336 : vector<16xi1>, vector<16xf32>
        %add3A_366 = arith.constant 11 : i32
        %add3A_367 = arith.addi %mul3A_48, %add3A_366 : i32
        %get3A_368 = arith.index_cast %add3A_367 : i32 to index
        %get3A_369 = arith.constant 0 : index
        %get3A_370 = tpu.vector_load %arg10[%get3A_368, %get3A_369] {strides = array<i32>} : memref<128x32xf32, #tpu.memory_space<vmem>>, vector<16xf32>,
        %get3A_371 = arith.index_cast %add3A_367 : i32 to index
        %get3A_372 = arith.constant 16 : index
        %get3A_373 = tpu.vector_load %arg10[%get3A_371, %get3A_372] {strides = array<i32>} : memref<128x32xf32, #tpu.memory_space<vmem>>, vector<16xf32>,
        %get3A_374 = arith.index_cast %add3A_367 : i32 to index
        %get3A_375 = arith.constant 0 : index
        %get3A_376 = tpu.vector_load %arg11[%get3A_374, %get3A_375] {strides = array<i32>} : memref<128x32xf32, #tpu.memory_space<vmem>>, vector<16xf32>,
        %get3A_377 = arith.index_cast %add3A_367 : i32 to index
        %get3A_378 = arith.constant 16 : index
        %get3A_379 = tpu.vector_load %arg11[%get3A_377, %get3A_378] {strides = array<i32>} : memref<128x32xf32, #tpu.memory_space<vmem>>, vector<16xf32>,
        %mul3A_380 = arith.mulf %get3A_370, %get3A_376 : vector<16xf32>
        %mul3A_381 = arith.mulf %mul3A_380, %get3A_5 : vector<16xf32>
        %mul3A_382 = arith.mulf %get3A_373, %get3A_379 : vector<16xf32>
        %mul3A_383 = arith.mulf %mul3A_382, %get3A_9 : vector<16xf32>
        %add3A_384 = arith.addf %mul3A_381, %mul3A_383 : vector<16xf32>
        %add3A_385 = arith.addf %add3A_384, %get3A_13 : vector<16xf32>
        %reduce_sum3A_386 = arith.constant true
        %reduce_sum3A_387 = vector.broadcast %reduce_sum3A_386 : i1 to vector<16xi1>
        %reduce_sum3A_388 = tpu.scan <sum>, %add3A_385 masked %reduce_sum3A_387 : vector<16xf32>, vector<16xi1> -> vector<16xf32>
        %reduce_sum3A_389 = vector.extract %reduce_sum3A_388[15] : f32 from vector<16xf32>
        %eq3A_390 = arith.constant 11 : i32
        %eq3A_391 = vector.broadcast %eq3A_390 : i32 to vector<16xi32>
        %eq3A_392 = arith.cmpi eq, %iota3A, %eq3A_391 : vector<16xi32>
        %broadcast_in_dim3A_393 = vector.broadcast %reduce_sum3A_389 : f32 to vector<16xf32>
        %select_n3A_394 = arith.select %eq3A_392, %broadcast_in_dim3A_393, %select_n3A_365 : vector<16xi1>, vector<16xf32>
        %add3A_395 = arith.constant 12 : i32
        %add3A_396 = arith.addi %mul3A_48, %add3A_395 : i32
        %get3A_397 = arith.index_cast %add3A_396 : i32 to index
        %get3A_398 = arith.constant 0 : index
        %get3A_399 = tpu.vector_load %arg10[%get3A_397, %get3A_398] {strides = array<i32>} : memref<128x32xf32, #tpu.memory_space<vmem>>, vector<16xf32>,
        %get3A_400 = arith.index_cast %add3A_396 : i32 to index
        %get3A_401 = arith.constant 16 : index
        %get3A_402 = tpu.vector_load %arg10[%get3A_400, %get3A_401] {strides = array<i32>} : memref<128x32xf32, #tpu.memory_space<vmem>>, vector<16xf32>,
        %get3A_403 = arith.index_cast %add3A_396 : i32 to index
        %get3A_404 = arith.constant 0 : index
        %get3A_405 = tpu.vector_load %arg11[%get3A_403, %get3A_404] {strides = array<i32>} : memref<128x32xf32, #tpu.memory_space<vmem>>, vector<16xf32>,
        %get3A_406 = arith.index_cast %add3A_396 : i32 to index
        %get3A_407 = arith.constant 16 : index
        %get3A_408 = tpu.vector_load %arg11[%get3A_406, %get3A_407] {strides = array<i32>} : memref<128x32xf32, #tpu.memory_space<vmem>>, vector<16xf32>,
        %mul3A_409 = arith.mulf %get3A_399, %get3A_405 : vector<16xf32>
        %mul3A_410 = arith.mulf %mul3A_409, %get3A_5 : vector<16xf32>
        %mul3A_411 = arith.mulf %get3A_402, %get3A_408 : vector<16xf32>
        %mul3A_412 = arith.mulf %mul3A_411, %get3A_9 : vector<16xf32>
        %add3A_413 = arith.addf %mul3A_410, %mul3A_412 : vector<16xf32>
        %add3A_414 = arith.addf %add3A_413, %get3A_13 : vector<16xf32>
        %reduce_sum3A_415 = arith.constant true
        %reduce_sum3A_416 = vector.broadcast %reduce_sum3A_415 : i1 to vector<16xi1>
        %reduce_sum3A_417 = tpu.scan <sum>, %add3A_414 masked %reduce_sum3A_416 : vector<16xf32>, vector<16xi1> -> vector<16xf32>
        %reduce_sum3A_418 = vector.extract %reduce_sum3A_417[15] : f32 from vector<16xf32>
        %eq3A_419 = arith.constant 12 : i32
        %eq3A_420 = vector.broadcast %eq3A_419 : i32 to vector<16xi32>
        %eq3A_421 = arith.cmpi eq, %iota3A, %eq3A_420 : vector<16xi32>
        %broadcast_in_dim3A_422 = vector.broadcast %reduce_sum3A_418 : f32 to vector<16xf32>
        %select_n3A_423 = arith.select %eq3A_421, %broadcast_in_dim3A_422, %select_n3A_394 : vector<16xi1>, vector<16xf32>
        %add3A_424 = arith.constant 13 : i32
        %add3A_425 = arith.addi %mul3A_48, %add3A_424 : i32
        %get3A_426 = arith.index_cast %add3A_425 : i32 to index
        %get3A_427 = arith.constant 0 : index
        %get3A_428 = tpu.vector_load %arg10[%get3A_426, %get3A_427] {strides = array<i32>} : memref<128x32xf32, #tpu.memory_space<vmem>>, vector<16xf32>,
        %get3A_429 = arith.index_cast %add3A_425 : i32 to index
        %get3A_430 = arith.constant 16 : index
        %get3A_431 = tpu.vector_load %arg10[%get3A_429, %get3A_430] {strides = array<i32>} : memref<128x32xf32, #tpu.memory_space<vmem>>, vector<16xf32>,
        %get3A_432 = arith.index_cast %add3A_425 : i32 to index
        %get3A_433 = arith.constant 0 : index
        %get3A_434 = tpu.vector_load %arg11[%get3A_432, %get3A_433] {strides = array<i32>} : memref<128x32xf32, #tpu.memory_space<vmem>>, vector<16xf32>,
        %get3A_435 = arith.index_cast %add3A_425 : i32 to index
        %get3A_436 = arith.constant 16 : index
        %get3A_437 = tpu.vector_load %arg11[%get3A_435, %get3A_436] {strides = array<i32>} : memref<128x32xf32, #tpu.memory_space<vmem>>, vector<16xf32>,
        %mul3A_438 = arith.mulf %get3A_428, %get3A_434 : vector<16xf32>
        %mul3A_439 = arith.mulf %mul3A_438, %get3A_5 : vector<16xf32>
        %mul3A_440 = arith.mulf %get3A_431, %get3A_437 : vector<16xf32>
        %mul3A_441 = arith.mulf %mul3A_440, %get3A_9 : vector<16xf32>
        %add3A_442 = arith.addf %mul3A_439, %mul3A_441 : vector<16xf32>
        %add3A_443 = arith.addf %add3A_442, %get3A_13 : vector<16xf32>
        %reduce_sum3A_444 = arith.constant true
        %reduce_sum3A_445 = vector.broadcast %reduce_sum3A_444 : i1 to vector<16xi1>
        %reduce_sum3A_446 = tpu.scan <sum>, %add3A_443 masked %reduce_sum3A_445 : vector<16xf32>, vector<16xi1> -> vector<16xf32>
        %reduce_sum3A_447 = vector.extract %reduce_sum3A_446[15] : f32 from vector<16xf32>
        %eq3A_448 = arith.constant 13 : i32
        %eq3A_449 = vector.broadcast %eq3A_448 : i32 to vector<16xi32>
        %eq3A_450 = arith.cmpi eq, %iota3A, %eq3A_449 : vector<16xi32>
        %broadcast_in_dim3A_451 = vector.broadcast %reduce_sum3A_447 : f32 to vector<16xf32>
        %select_n3A_452 = arith.select %eq3A_450, %broadcast_in_dim3A_451, %select_n3A_423 : vector<16xi1>, vector<16xf32>
        %add3A_453 = arith.constant 14 : i32
        %add3A_454 = arith.addi %mul3A_48, %add3A_453 : i32
        %get3A_455 = arith.index_cast %add3A_454 : i32 to index
        %get3A_456 = arith.constant 0 : index
        %get3A_457 = tpu.vector_load %arg10[%get3A_455, %get3A_456] {strides = array<i32>} : memref<128x32xf32, #tpu.memory_space<vmem>>, vector<16xf32>,
        %get3A_458 = arith.index_cast %add3A_454 : i32 to index
        %get3A_459 = arith.constant 16 : index
        %get3A_460 = tpu.vector_load %arg10[%get3A_458, %get3A_459] {strides = array<i32>} : memref<128x32xf32, #tpu.memory_space<vmem>>, vector<16xf32>,
        %get3A_461 = arith.index_cast %add3A_454 : i32 to index
        %get3A_462 = arith.constant 0 : index
        %get3A_463 = tpu.vector_load %arg11[%get3A_461, %get3A_462] {strides = array<i32>} : memref<128x32xf32, #tpu.memory_space<vmem>>, vector<16xf32>,
        %get3A_464 = arith.index_cast %add3A_454 : i32 to index
        %get3A_465 = arith.constant 16 : index
        %get3A_466 = tpu.vector_load %arg11[%get3A_464, %get3A_465] {strides = array<i32>} : memref<128x32xf32, #tpu.memory_space<vmem>>, vector<16xf32>,
        %mul3A_467 = arith.mulf %get3A_457, %get3A_463 : vector<16xf32>
        %mul3A_468 = arith.mulf %mul3A_467, %get3A_5 : vector<16xf32>
        %mul3A_469 = arith.mulf %get3A_460, %get3A_466 : vector<16xf32>
        %mul3A_470 = arith.mulf %mul3A_469, %get3A_9 : vector<16xf32>
        %add3A_471 = arith.addf %mul3A_468, %mul3A_470 : vector<16xf32>
        %add3A_472 = arith.addf %add3A_471, %get3A_13 : vector<16xf32>
        %reduce_sum3A_473 = arith.constant true
        %reduce_sum3A_474 = vector.broadcast %reduce_sum3A_473 : i1 to vector<16xi1>
        %reduce_sum3A_475 = tpu.scan <sum>, %add3A_472 masked %reduce_sum3A_474 : vector<16xf32>, vector<16xi1> -> vector<16xf32>
        %reduce_sum3A_476 = vector.extract %reduce_sum3A_475[15] : f32 from vector<16xf32>
        %eq3A_477 = arith.constant 14 : i32
        %eq3A_478 = vector.broadcast %eq3A_477 : i32 to vector<16xi32>
        %eq3A_479 = arith.cmpi eq, %iota3A, %eq3A_478 : vector<16xi32>
        %broadcast_in_dim3A_480 = vector.broadcast %reduce_sum3A_476 : f32 to vector<16xf32>
        %select_n3A_481 = arith.select %eq3A_479, %broadcast_in_dim3A_480, %select_n3A_452 : vector<16xi1>, vector<16xf32>
        %add3A_482 = arith.constant 15 : i32
        %add3A_483 = arith.addi %mul3A_48, %add3A_482 : i32
        %get3A_484 = arith.index_cast %add3A_483 : i32 to index
        %get3A_485 = arith.constant 0 : index
        %get3A_486 = tpu.vector_load %arg10[%get3A_484, %get3A_485] {strides = array<i32>} : memref<128x32xf32, #tpu.memory_space<vmem>>, vector<16xf32>,
        %get3A_487 = arith.index_cast %add3A_483 : i32 to index
        %get3A_488 = arith.constant 16 : index
        %get3A_489 = tpu.vector_load %arg10[%get3A_487, %get3A_488] {strides = array<i32>} : memref<128x32xf32, #tpu.memory_space<vmem>>, vector<16xf32>,
        %get3A_490 = arith.index_cast %add3A_483 : i32 to index
        %get3A_491 = arith.constant 0 : index
        %get3A_492 = tpu.vector_load %arg11[%get3A_490, %get3A_491] {strides = array<i32>} : memref<128x32xf32, #tpu.memory_space<vmem>>, vector<16xf32>,
        %get3A_493 = arith.index_cast %add3A_483 : i32 to index
        %get3A_494 = arith.constant 16 : index
        %get3A_495 = tpu.vector_load %arg11[%get3A_493, %get3A_494] {strides = array<i32>} : memref<128x32xf32, #tpu.memory_space<vmem>>, vector<16xf32>,
        %mul3A_496 = arith.mulf %get3A_486, %get3A_492 : vector<16xf32>
        %mul3A_497 = arith.mulf %mul3A_496, %get3A_5 : vector<16xf32>
        %mul3A_498 = arith.mulf %get3A_489, %get3A_495 : vector<16xf32>
        %mul3A_499 = arith.mulf %mul3A_498, %get3A_9 : vector<16xf32>
        %add3A_500 = arith.addf %mul3A_497, %mul3A_499 : vector<16xf32>
        %add3A_501 = arith.addf %add3A_500, %get3A_13 : vector<16xf32>
        %reduce_sum3A_502 = arith.constant true
        %reduce_sum3A_503 = vector.broadcast %reduce_sum3A_502 : i1 to vector<16xi1>
        %reduce_sum3A_504 = tpu.scan <sum>, %add3A_501 masked %reduce_sum3A_503 : vector<16xf32>, vector<16xi1> -> vector<16xf32>
        %reduce_sum3A_505 = vector.extract %reduce_sum3A_504[15] : f32 from vector<16xf32>
        %eq3A_506 = arith.constant 15 : i32
        %eq3A_507 = vector.broadcast %eq3A_506 : i32 to vector<16xi32>
        %eq3A_508 = arith.cmpi eq, %iota3A, %eq3A_507 : vector<16xi32>
        %broadcast_in_dim3A_509 = vector.broadcast %reduce_sum3A_505 : f32 to vector<16xf32>
        %select_n3A_510 = arith.select %eq3A_508, %broadcast_in_dim3A_509, %select_n3A_481 : vector<16xi1>, vector<16xf32>
        %mul3A_511 = arith.constant 128 : i32
        %mul3A_512 = arith.muli %scan3A_19, %mul3A_511 : i32
        %add3A_513 = arith.addi %mul3A_512, %mul3A_48 : i32
        %swap3A = arith.index_cast %add3A_513 : i32 to index
        %swap3A_514 = tpu.vector_load %arg13[%swap3A] {strides = array<i32>} : memref<512xf32, #tpu.memory_space<vmem>>, vector<16xf32>,
        tpu.vector_store %arg13[%swap3A], %select_n3A_510 {strides = array<i32>} : memref<512xf32, #tpu.memory_space<vmem>>, vector<16xf32>,
      }
      %scan3A_45 = arith.constant 8 : i32
    }
    %scan3A_18 = arith.constant 4 : i32
    "tpu.region"() ({
      %run_scoped3A = tpu.sem_alloc : memref<!tpu.dma_semaphore, #tpu.memory_space<semaphore_mem>>
      %dma_start3A = tpu.memref_slice %arg7[%mul3A_2] : memref<16384xf32, #tpu.memory_space<hbm>> -> memref<512xf32, #tpu.memory_space<hbm>>
      %dma_start3A_19 = tpu.memref_slice %arg7[%mul3A_2] : memref<16384xf32, #tpu.memory_space<hbm>> -> memref<512xf32, #tpu.memory_space<hbm>>
      tpu.enqueue_dma source(%arg13 : memref<512xf32, #tpu.memory_space<vmem>>) target(%dma_start3A_19 : memref<512xf32, #tpu.memory_space<hbm>>) target_semaphore(%run_scoped3A : memref<!tpu.dma_semaphore, #tpu.memory_space<semaphore_mem>>)
      %dma_wait3A = tpu.memref_slice %arg7[%mul3A_2] : memref<16384xf32, #tpu.memory_space<hbm>> -> memref<512xf32, #tpu.memory_space<hbm>>
      %dma_wait3A_20 = tpu.memref_slice %arg7[%mul3A_2] : memref<16384xf32, #tpu.memory_space<hbm>> -> memref<512xf32, #tpu.memory_space<hbm>>
      tpu.wait_dma2 semaphore(%run_scoped3A : memref<!tpu.dma_semaphore, #tpu.memory_space<semaphore_mem>>) src(%arg13 : memref<512xf32, #tpu.memory_space<vmem>>) dst(%dma_wait3A_20 : memref<512xf32, #tpu.memory_space<hbm>>)
      tpu.yield
    }) : () -> ()
    return
  }
}

</mosaic_0001>

<sc_bundles>
// kernel: kernel.3.cloned.1.call-start
scs
__scs_entry_jumppad:
0x0: {  	(pc) =	sbr.rel $0x88, $3  }
0x1: {  	(tag) =	ssettag $0x0;
	lr =	simm.s32 $0x1  }
0x2: {  	[smem:$0x3F9B] =	sst lr;
	_ =	strace $0xD0000000  }
0x3: {  	_ = 	snop  }
0x4: {  	_ = 	snop  }
0x5: {  	_ = 	snop  }
0x6: {  	_ = 	snop  }
0x7: {  	_ = 	snop  }
__scs_overlays_trampoline_lowered:
0x8: {  	[smem:$0x3FAA] =	sst s0  }
0x9: {  	[smem:$0x3FAB] =	sst s1  }
0xa: {  	[smem:$0x3FAC] =	sst s2  }
0xb: {  	[smem:$0x3FAD] =	sst s3  }
0xc: {  	[smem:$0x3FAE] =	sst s4  }
0xd: {  	[smem:$0x3FAF] =	sst s5  }
0xe: {  	[smem:$0x3FB0] =	sst s6  }
0xf: {  	[smem:$0x3FB1] =	sst s7  }
0x10: {  	[smem:$0x3FB2] =	sst s8  }
0x11: {  	[smem:$0x3FB3] =	sst s9;
	s0 =	simm.s32 @!p0 $0x0  }
0x12: {  	s1 =	sld [smem:$0x3F99];
	s0 =	simm.s32 @p0 $0x1  }
0x13: {  	[smem:$0x3FB4] =	sst s0;
	s0 =	simm.s32 @!p1 $0x0  }
0x14: {  	s2 =	sld [smem:$0x3F98];
	s0 =	simm.s32 @p1 $0x1  }
0x15: {  	[smem:$0x3FB5] =	sst s0;
	s0 =	simm.s32 @!p2 $0x0  }
0x16: {  	s3 =	sld [smem:$0x3FDB];
	s0 =	simm.s32 @p2 $0x1  }
0x17: {  	s4 =	simm.s32 $0x1BF5;
	[smem:$0x3FB7] =	sst s0  }
0x18: {  	s0 =	sld [smem:$0x3F9A];
	_ =	swait.ge [sflag:s4], $0x0  }
0x19: {  	s7 =	sld [smem:$0x3F9B]  }
0x1a: {  	s8 =	sadd.s32 $0xFFFFE003, lr  }
0x1b: {  	s9 =	sadd.s32 $0xFFFFFEF7, lr;
	s5 =	simm.s32 $0xFFFFFFFF;
	p2 =	slt.u32 s8, $0xFFFFF086  }
0x1c: {  	p1 =	slt.u32 s9, $0xF7A;
	s5 =	simm.s32 @!p2 $0x0  }
0x1d: {  	s5 =	simm.s32 @p1 $0x1;
	p0 =	seq.s32 s7, s2  }
0x1e: {  	s7 =	smul.u32 @!p0 $0xF7A, s2;
	p2 =	seq.s32 @!p0 s5, $0x0  }
0x1f: {  	s9 =	smul.u32 $0xF7A, s1;
	s8 =	simm.s32 @!p0 $0x1BF5;
	p2 =	por !p2, p0  }
0x20: {  	[sflag:s8] =	ssyncset.s32 @!p0 $0xFFFFF086;
	s6 =	sadd.s32 @!p0 s3, s7;
	s7 =	simm.s32 @!p0 $0x108  }
0x21: {  	s3 =	sadd.s32 s3, s9;
	s6 =	sadd.s32 @!p0 $0x88, s6;
	s7 =	simm.s32 @p2 $0x1082  }
0x22: {  	[simem:s7], [sflag:s8] =	dma.local @!p0 [hbm:s6], $0xF7A  }
0x23: {  	s9 =	sor.u32 $0xD0000000, s2;
	s6 =	simm.s32 $0x108;
	_ =	swait.ge @!p0 [sflag:s8], $0x0  }
0x24: {  	s3 =	sadd.s32 $0x88, s3;
	s6 =	simm.s32 @!p1 $0x1082;
	[sflag:s4] =	ssyncset.s32 $0xFFFFF086  }
0x25: {  	[simem:s6], [sflag:s4] =	dma.local [hbm:s3], $0xF7A  }
0x26: {  	[smem:$0x3F9B] =	sst s1;
	(tag) =	ssettag s2;
	_ =	strace s9  }
0x27: {  	s1 =	sld [smem:$0x3FAB]  }
0x28: {  	s2 =	sld [smem:$0x3FAC]  }
0x29: {  	s4 =	sld [smem:$0x3FAE]  }
0x2a: {  	p0 =	seq.s32 s5, $0x0;
	s5 =	sld [smem:$0x3FAF]  }
0x2b: {  	s6 =	sld [smem:$0x3FB0]  }
0x2c: {  	s7 =	sld [smem:$0x3FB1]  }
0x2d: {  	s3 =	simm.s32 $0x108;
	s8 =	sld [smem:$0x3FB2]  }
0x2e: {  	s3 =	simm.s32 @!p0 $0x1082;
	s9 =	sld [smem:$0x3FB3]  }
0x2f: {  	lr =	sadd.s32 s0, s3;
	s0 =	sld [smem:$0x3FAA]  }
0x30: {  	s3 =	sld [smem:$0x3FAD]  }
0x31: {  	[smem:$0x3FB6] =	sst s10  }
0x32: {  	s10 =	sld [smem:$0x3FB4];
	_ =	sdelay $0x3  }
0x33: {  	p0 =	seq.s32 s10, $0x1;
	s10 =	sld [smem:$0x3FB6];
	_ =	sdelay $0x3  }
0x34: {  	[smem:$0x3FB6] =	sst s10  }
0x35: {  	s10 =	sld [smem:$0x3FB5];
	_ =	sdelay $0x3  }
0x36: {  	p1 =	seq.s32 s10, $0x1;
	s10 =	sld [smem:$0x3FB6];
	_ =	sdelay $0x3  }
0x37: {  	[smem:$0x3FB6] =	sst s10  }
0x38: {  	s10 =	sld [smem:$0x3FB7]  }
0x39: {  	_ = 	snop;
	(pc) =	sbr.ind lr, $3  }
0x3a: {  	_ = 	snop  }
0x3b: {  	_ = 	snop  }
0x3c: {  	p2 =	seq.s32 s10, $0x1;
	s10 =	sld [smem:$0x3FB6]  }
0x3d: {  	_ =	shalt  }
0x3e: {  	_ =	shalt  }
0x3f: {  	_ =	shalt  }
0x40: {  	_ =	shalt  }
0x41: {  	_ =	shalt  }
0x42: {  	_ =	shalt  }
0x43: {  	_ =	shalt  }
0x44: {  	_ =	shalt  }
0x45: {  	_ =	shalt  }
0x46: {  	_ =	shalt  }
0x47: {  	_ =	shalt  }
0x48: {  	_ =	shalt  }
0x49: {  	_ =	shalt  }
0x4a: {  	_ =	shalt  }
0x4b: {  	_ =	shalt  }
0x4c: {  	_ =	shalt  }
0x4d: {  	_ =	shalt  }
0x4e: {  	_ =	shalt  }
0x4f: {  	_ =	shalt  }
0x50: {  	_ =	shalt  }
0x51: {  	_ =	shalt  }
0x52: {  	_ =	shalt  }
0x53: {  	_ =	shalt  }
0x54: {  	_ =	shalt  }
0x55: {  	_ =	shalt  }
0x56: {  	_ =	shalt  }
0x57: {  	_ =	shalt  }
0x58: {  	_ =	shalt  }
0x59: {  	_ =	shalt  }
0x5a: {  	_ =	shalt  }
0x5b: {  	_ =	shalt  }
0x5c: {  	_ =	shalt  }
0x5d: {  	_ =	shalt  }
0x5e: {  	_ =	shalt  }
0x5f: {  	_ =	shalt  }
0x60: {  	_ =	shalt  }
0x61: {  	_ =	shalt  }
0x62: {  	_ =	shalt  }
0x63: {  	_ =	shalt  }
0x64: {  	_ =	shalt  }
0x65: {  	_ =	shalt  }
0x66: {  	_ =	shalt  }
0x67: {  	_ =	shalt  }
0x68: {  	_ =	shalt  }
0x69: {  	_ =	shalt  }
0x6a: {  	_ =	shalt  }
0x6b: {  	_ =	shalt  }
0x6c: {  	_ =	shalt  }
0x6d: {  	_ =	shalt  }
0x6e: {  	_ =	shalt  }
0x6f: {  	_ =	shalt  }
0x70: {  	_ =	shalt  }
0x71: {  	_ =	shalt  }
0x72: {  	_ =	shalt  }
0x73: {  	_ =	shalt  }
0x74: {  	_ =	shalt  }
0x75: {  	_ =	shalt  }
0x76: {  	_ =	shalt  }
0x77: {  	_ =	shalt  }
0x78: {  	_ =	shalt  }
0x79: {  	_ =	shalt  }
0x7a: {  	_ =	shalt  }
0x7b: {  	_ =	shalt  }
0x7c: {  	_ =	shalt  }
0x7d: {  	_ =	shalt  }
0x7e: {  	_ =	shalt  }
0x7f: {  	_ =	shalt  }
0x80: {  	_ =	shalt  }
0x81: {  	_ =	shalt  }
0x82: {  	_ =	shalt  }
0x83: {  	_ =	shalt  }
0x84: {  	_ =	shalt  }
0x85: {  	_ =	shalt  }
0x86: {  	_ =	shalt  }
0x87: {  	_ =	shalt  }
.Lfunc_end0:
.L_simem_size_0:
called_computation_lowered:
.L_overlay_start_0:
0x88: {  	s2 =	sld [smem:$0x3FD9]  }
0x89: {  	s3 =	sld [smem:$0x3FFE];
	_ =	sdelay $0x1  }
0x8a: {  	s1 =	srdreg.scid  }
0x8b: {  	s0 =	sand.u32 $0x1, s1  }
0x8c: {  	s17 =	sshll.u32 s0, $0xA;
	s2 =	sadd.s32 s3, s2  }
0x8d: {  	s2 =	sadd.s32 s2, s17  }
0x8e: {  	[smem:$0x3FC2] =	sst s2  }
0x8f: {  	_ = 	snop  }
0x90: {  	s2 =	sld [smem:$0x3FC9]  }
0x91: {  	s18 =	sld [smem:$0x3FC8]  }
0x92: {  	s4 =	sld [smem:$0x3FD0];
	(tm) =	ssettm $0x1  }
0x93: {  	s5 =	sld [smem:$0x3FFB];
	_ =	sdelay $0x3  }
0x94: {  	_ =	strace s5  }
0x95: {  	s5 =	sld [smem:$0x3FFC];
	_ =	sdelay $0x3  }
0x96: {  	_ =	strace s5  }
0x97: {  	s5 =	sld [smem:$0x3FFD];
	_ =	sdelay $0x3  }
0x98: {  	_ =	strace s5  }
0x99: {  	_ =	strace $0x8FFFFFFF  }
0x9a: {  	s19 =	sld [smem:$0x3FDB];
	_ =	sdelay $0x1  }
0x9b: {  	s6 =	simm.s32 $_scs_section_size  }
0x9c: {  	s7 =	simm.s32 $_size__tile_overlayer_lowered;
	s8 =	simm.s32 $_tile_overlayer_lowered  }
0x9d: {  	s22 =	simm.s32 $0x1BFF;
	s21 =	sshll.u32 s8, $0x1;
	s5 =	sadd.s32 s6, s19  }
0x9e: {  	s9 =	simm.s32 $0x0;
	s20 =	sshll.u32 s7, $0x1;
	s7 =	sadd.s32 s21, s5  }
0x9f: {  	[timem:s9], [sflag:s22] =	dma.local [hbm:s7], s20  }
0xa0: {  	_ =	swait.ge [sflag:s22], s20  }
0xa1: {  	s6 =	ssub.s32 $0x0, s20;
	[sflag:s22] =	ssyncset.done $0x0  }
0xa2: {  	[sflag:s22] =	ssyncadd.s32 s6;
	_ =	sdelay $0x1  }
0xa3: {  	s23 =	simm.s32 $0x1B8B  }
0xa4: {  	_ =	swait.ge [sflag:s23], $0x1  }
0xa5: {  	[sflag:s23] =	ssyncset.done $0x0  }
0xa6: {  	s25 =	simm.s32 $0x1B8E;
	s24 =	sld [smem:$0x3FFE];
	[sflag:s23] =	ssyncadd.s32 $0xFFFFFFFF  }
0xa7: {  	s26 =	simm.s32 $execute0_lowered;
	[smem:$0x3FD2] =	sst s25  }
0xa8: {  	s7 =	sshll.u32 s26, $0x1;
	_ =	strace $0x80000046;
	[dreg:$0x1] =	wrdreg $0xFFFFFFFF  }
0xa9: {  	s28 =	simm.s32 $_size_execute0_lowered;
	s5 =	sadd.s32 s5, s7;
	[dreg:$0x0] =	wrdreg $0x0  }
0xaa: {  	s7 =	sshll.u32 s28, $0x1;
	[dreg:$0x2] =	wrdreg s5  }
0xab: {  	[dreg:$0x3] =	wrdreg s7  }
0xac: {  	[dreg:$0x4] =	wrdreg $0xC0  }
0xad: {  	_ =	task [dreg:s9], $0x5FFFF  }
0xae: {  	[dreg:$0x1] =	wrdreg $0xFFFFFFFF  }
0xaf: {  	[dreg:$0x0] =	wrdreg $0x60  }
0xb0: {  	[dreg:$0x2] =	wrdreg s2  }
0xb1: {  	[dreg:$0x3] =	wrdreg s18  }
0xb2: {  	[dreg:$0x4] =	wrdreg s24  }
0xb3: {  	[dreg:$0x5] =	wrdreg s4  }
0xb4: {  	[dreg:$0x6] =	wrdreg $0x9  }
0xb5: {  	_ =	task.clear_ibuf [dreg:s9], $0x7FFFF;
	_ =	strace $0x90000046  }
0xb6: {  	s29 =	simm.s32 $0x9;
	_ =	strace $0x80000048  }
0xb7: {  	_ =	swait.ge [sflag:s29], $0x1  }
0xb8: {  	[sflag:s29] =	ssyncadd.s32 $0xFFFFFFFF  }
0xb9: {  	_ =	strace $0x90000048  }
0xba: {  	_ =	sfence  }
0xbb: {  	s30 =	sld [smem:$0x0];
	_ =	sdelay $0x2  }
0xbc: {  	s31 =	sshll.u32 s1, $0xD;
	s1 =	sshrl.u32 s1, $0x2  }
0xbd: {  	s3 =	sand.u32 $0x4000, s31;
	s1 =	sadd.s32 s1, s30  }
0xbe: {  	s0 =	sor.u32 s3, s0;
	s1 =	sshll.u32 s1, $0x11  }
0xbf: {  	s0 =	sor.u32 s1, s0  }
0xc0: {  	s0 =	sadd.s32 $0x8F2B, s0  }
0xc1: {  	[sflag:s0] =	ssyncadd.remote.s32 $0x1  }
0xc2: {  	_ =	sfence.sel $0xFFFF  }
0xc3: {  	[dreg:$0x0] =	wrdreg $0xFFFFFFFF;
	(pc) =	sbr.abs _section_cstart, $3  }
0xc4: {  	[dreg:$0x1] =	wrdreg $0xFFFFFFFF  }
0xc5: {  	_ =	task.clear_ibuf [dreg:s9], $0x2FFFF;
	_ =	strace $0x9FFFFFFF  }
0xc6: {  	(tm) =	ssettm $0x7FFFFFFF  }
0xc7: {  	_ =	shalt  }
tec
execute0_lowered:
.L_overlay_start_1:
0x0: {  	(tag) =	ssettag $0x1  }
0x1: {  	s0 =	rddreg [dreg:$0x2]  }
0x2: {  	s1 =	rddreg [dreg:$0x3];
	s13 =	simm.s32 $0x0;
	s2 =	srdreg.scid  }
0x3: {  	s4 =	stileid.u32;
	[smem:$0x7FF] =	sst s13  }
0x4: {  	s2 =	sand.u32 $0x1, s2;
	s6 =	sshll.u32 s4, $0xA;
	s23 =	sadd.s32 $0x800, s0  }
0x5: {  	s7 =	sadd.s32 $0xF42C00, s0;
	s3 =	ssub.s32 $0x2, s2;
	s2 =	sshll.u32 s2, $0x9  }
0x6: {  	vm0 =	vmmov $0x1;
	vm1 =	vmmov $0x3;
	vm2 =	vmmov $0x7;
	s0 =	sadd.s32 $0x1E85000, s0;
	_ =	strace $0x80000047;
	s5 =	sor.u32 s2, s6  }
0x7: {  	vm3 =	vmmov $0xf;
	vm4 =	vmmov $0x1f;
	vm5 =	vmmov $0x3f;
	[dreg:$0xf] =	wrdreg s0;
	s8 =	sshrl.u32 s3, $0x1;
	s29 =	sshrl.u32 s5, $0x3  }
0x8: {  	vm6 =	vmmov $0x7f;
	vm7 =	vmmov $0xff;
	vm8 =	vmmov $0x1ff;
	s28 =	ssub.s32 s3, s8;
	[dreg:$0xe] =	wrdreg s5;
	s30 =	sadd.s32 s1, s29  }
0x9: {  	vm9 =	vmmov $0x3ff;
	vm10 =	vmmov $0x7ff;
	vm11 =	vmmov $0xfff;
	s31 =	smax.u32 s28, $0x1;
	[dreg:$0x10] =	wrdreg s30  }
0xa: {  	vm12 =	vmmov $0x1fff;
	vm13 =	vmmov $0x3fff;
	vm14 =	vmmov $0x7fff;
	s3 =	simm.s32 $0x3;
	s1 =	simm.s32 $0x0;
	[dreg:$0x11] =	wrdreg s31  }
.LBB2_1:
0xb: {  	[dreg:$0x12] =	wrdreg s1  }
0xc: {  	s0 =	rddreg [dreg:$0xf];
	s31 =	simm.s32 $0x8100  }
0xd: {  	[tilespmem:s31], [sflag:$0x3] =	stream.linear.gather [hbm4b:s0+s13], $0x180, $0x38;
	[tilespmem:$0x8500] =	vst v63  }
0xe: {  	_ =	swait.ge [sflag:s3], $0x180  }
0xf: {  	[sflag:s3] =	ssyncset.done $0x0  }
0x10: {  	[sflag:s3] =	ssyncadd.s32 $0xFFFFFE80  }
0x11: {  	v0 =	vld [tilespmem:$0x8100]  }
0x12: {  	v1 =	vld [tilespmem:$0x8180]  }
0x13: {  	v2 =	vld [tilespmem:$0x8200];
	_ =	sdelay $0x1  }
0x14: {  	s1 =	simm.s32 $0x8300;
	s2 =	simm.s32 $0x0  }
.LBB2_2:
0x15: {  	s0 =	sshll.u32 s2, $0x7;
	s22 =	rddreg [dreg:$0xe]  }
0x16: {  	[dreg:$0x13] =	wrdreg s1;
	s0 =	sor.u32 s22, s0  }
0x17: {  	s24 =	rddreg [dreg:$0x0];
	s0 =	sshrl.u32 s0, $0x3  }
0x18: {  	[dreg:$0x14] =	wrdreg s2;
	s25 =	simm.s32 $0x0;
	s1 =	sadd.s32 s24, s0  }
0x19: {  	[tilespmem:s25], [sflag:$0x3] =	stream.linear.gather [hbm4b:s1+s25], $0x80, $0x38;
	[tilespmem:$0x8500] =	vst v63  }
0x1a: {  	_ =	swait.ge [sflag:s3], $0x80  }
0x1b: {  	[sflag:s3] =	ssyncset.done $0x0  }
0x1c: {  	[sflag:s3] =	ssyncadd.s32 $0xFFFFFF80  }
0x1d: {  	s26 =	rddreg [dreg:$0x1]  }
0x1e: {  	s30 =	simm.s32 $0x80;
	s0 =	sadd.s32 s26, s0  }
0x1f: {  	[tilespmem:s30], [sflag:$0x3] =	stream.linear.gather [hbm4b:s0+s25], $0x80, $0x38;
	[tilespmem:$0x8500] =	vst v63  }
0x20: {  	_ =	swait.ge [sflag:s3], $0x80  }
0x21: {  	[sflag:s3] =	ssyncset.done $0x0  }
0x22: {  	[sflag:s3] =	ssyncadd.s32 $0xFFFFFF80  }
0x23: {  	v3 =	vld [tilespmem:s25+$0x0];
	_ =	sdelay $0x1  }
0x24: {  	v5 =	vld [tilespmem:s30+$0x0];
	_ =	sdelay $0x2  }
0x25: {  	v4 =	vshll.u32 v3, $0x4  }
0x26: {  	(v2sf) =	vpush v4, $0x0  }
0x27: {  	v3 =	vshll.u32 v5, $0x4  }
0x28: {  	(v2sf) =	vpush v3, $0x0;
	_ =	sdelay $0x1  }
0x29: {  	(v2sf) =	vpush v4, $0x1  }
0x2a: {  	(v2sf) =	vpush v3, $0x1  }
0x2b: {  	(v2sf) =	vpush v4, $0x2;
	_ =	sdelay $0x1  }
0x2c: {  	(v2sf) =	vpush v3, $0x2;
	_ =	sdelay $0x1  }
0x2d: {  	(v2sf) =	vpush v4, $0x3  }
0x2e: {  	s20 =	simm.s32 $0x2000  }
0x2f: {  	s19 =	simm.s32 $0x0;
	s31 =	simm.s32 $0x4100;
	s2 =	simm.s32 $0x380  }
0x30: {  	s6 =	simm.s32 $0x100;
	s9 =	simm.s32 $0x300;
	s10 =	simm.s32 $0x280  }
0x31: {  	s15 =	simm.s32 $0x4180;
	s17 =	simm.s32 $0x200;
	s29 =	simm.s32 $0x700  }
0x32: {  	s28 =	simm.s32 $0x800;
	s22 =	simm.s32 $0x4200;
	s8 =	spop (v2sf)  }
0x33: {  	s1 =	simm.s32 $0x580;
	s0 =	simm.s32 $0x4600;
	(v2sf) =	vpush v3, $0x3;
	s8 =	sand.u32 $0x1FFFFFF0, s8  }
0x34: {  	s30 =	simm.s32 $0x4300;
	s11 =	spop (v2sf);
	s8 =	sadd.s32 s23, s8  }
0x35: {  	(v2sf) =	vpush v4, $0x4;
	[tilespmem:s6], [sflag:$0x1] =	stream.linear.gather [hbm4b:s8+s13], $0x80, $0x38;
	[tilespmem:$0x8500] =	vst v63  }
0x36: {  	(v2sf) =	vpush v3, $0x4;
	s4 =	sand.u32 $0x1FFFFFF0, s11;
	s5 =	spop (v2sf);
	s6 =	simm.s32 $0x4280  }
0x37: {  	s8 =	sadd.s32 s7, s4;
	s11 =	sand.u32 $0x1FFFFFF0, s5;
	s12 =	spop (v2sf)  }
0x38: {  	(v2sf) =	vpush v4, $0x5;
	s5 =	simm.s32 $0x4700;
	s11 =	sadd.s32 s23, s11;
	s16 =	spop (v2sf)  }
0x39: {  	[tilespmem:s31], [sflag:$0x2] =	stream.linear.gather [hbm4b:s8+s13], $0x80, $0x38;
	[tilespmem:$0x8500] =	vst v63  }
0x3a: {  	s14 =	sand.u32 $0x1FFFFFF0, s12;
	(v2sf) =	vpush v3, $0x5;
	s8 =	simm.s32 $0x180;
	s18 =	spop (v2sf)  }
0x3b: {  	[tilespmem:s8], [sflag:$0x1] =	stream.linear.gather [hbm4b:s11+s13], $0x80, $0x38;
	[tilespmem:$0x8500] =	vst v63  }
0x3c: {  	(v2sf) =	vpush v4, $0x6;
	s21 =	spop (v2sf);
	s11 =	sadd.s32 s7, s14;
	s8 =	sand.u32 $0x1FFFFFF0, s16  }
0x3d: {  	[tilespmem:s15], [sflag:$0x2] =	stream.linear.gather [hbm4b:s11+s13], $0x80, $0x38;
	[tilespmem:$0x8500] =	vst v63  }
0x3e: {  	(v2sf) =	vpush v3, $0x6;
	s12 =	sand.u32 $0x1FFFFFF0, s21;
	s8 =	sadd.s32 s23, s8;
	s11 =	sand.u32 $0x1FFFFFF0, s18  }
0x3f: {  	[tilespmem:s17], [sflag:$0x1] =	stream.linear.gather [hbm4b:s8+s13], $0x80, $0x38;
	[tilespmem:$0x8500] =	vst v63  }
0x40: {  	s26 =	sadd.s32 s23, s12;
	s12 =	simm.s32 $0x480;
	s24 =	sadd.s32 s7, s11  }
0x41: {  	[tilespmem:s22], [sflag:$0x2] =	stream.linear.gather [hbm4b:s24+s13], $0x80, $0x38;
	[tilespmem:$0x8500] =	vst v63  }
0x42: {  	s15 =	simm.s32 $0x4380;
	s11 =	simm.s32 $0x780;
	s25 =	spop (v2sf);
	(v2sf) =	vpush v4, $0x7  }
0x43: {  	[tilespmem:s10], [sflag:$0x1] =	stream.linear.gather [hbm4b:s26+s13], $0x80, $0x38;
	[tilespmem:$0x8500] =	vst v63  }
0x44: {  	s17 =	simm.s32 $0x400;
	s8 =	sand.u32 $0x1FFFFFF0, s25;
	s31 =	spop (v2sf)  }
0x45: {  	(v2sf) =	vpush v3, $0x7;
	s8 =	sadd.s32 s7, s8;
	s3 =	sand.u32 $0x1FFFFFF0, s31;
	s4 =	spop (v2sf)  }
0x46: {  	(v2sf) =	vpush v4, $0x8;
	[tilespmem:s6], [sflag:$0x2] =	stream.linear.gather [hbm4b:s8+s13], $0x80, $0x38;
	[tilespmem:$0x8500] =	vst v63  }
0x47: {  	s8 =	sadd.s32 s23, s3;
	s14 =	sand.u32 $0x1FFFFFF0, s4;
	s16 =	spop (v2sf)  }
0x48: {  	(v2sf) =	vpush v3, $0x8;
	[tilespmem:s9], [sflag:$0x1] =	stream.linear.gather [hbm4b:s8+s13], $0x80, $0x38;
	[tilespmem:$0x8500] =	vst v63  }
0x49: {  	s18 =	spop (v2sf);
	s8 =	sadd.s32 s7, s14;
	s9 =	sand.u32 $0x1FFFFFF0, s16  }
0x4a: {  	(v2sf) =	vpush v4, $0x9;
	[tilespmem:s30], [sflag:$0x2] =	stream.linear.gather [hbm4b:s8+s13], $0x80, $0x38;
	[tilespmem:$0x8500] =	vst v63  }
0x4b: {  	s10 =	sand.u32 $0x1FFFFFF0, s18;
	s21 =	spop (v2sf);
	s9 =	sadd.s32 s23, s9  }
0x4c: {  	(v2sf) =	vpush v3, $0x9;
	[tilespmem:s2], [sflag:$0x1] =	stream.linear.gather [hbm4b:s9+s13], $0x80, $0x38;
	[tilespmem:$0x8500] =	vst v63  }
0x4d: {  	s22 =	sadd.s32 s7, s10;
	s24 =	sand.u32 $0x1FFFFFF0, s21;
	s25 =	spop (v2sf)  }
0x4e: {  	(v2sf) =	vpush v4, $0xA;
	[tilespmem:s15], [sflag:$0x2] =	stream.linear.gather [hbm4b:s22+s13], $0x80, $0x38;
	[tilespmem:$0x8500] =	vst v63  }
0x4f: {  	s16 =	simm.s32 $0x4480;
	s26 =	sadd.s32 s23, s24;
	s6 =	sand.u32 $0x1FFFFFF0, s25  }
0x50: {  	(v2sf) =	vpush v3, $0xA;
	[tilespmem:s17], [sflag:$0x1] =	stream.linear.gather [hbm4b:s26+s13], $0x80, $0x38;
	[tilespmem:$0x8500] =	vst v63  }
0x51: {  	s30 =	simm.s32 $0x4400;
	s6 =	sadd.s32 s7, s6;
	s31 =	spop (v2sf)  }
0x52: {  	(v2sf) =	vpush v4, $0xB;
	[tilespmem:s30], [sflag:$0x2] =	stream.linear.gather [hbm4b:s6+s13], $0x80, $0x38;
	[tilespmem:$0x8500] =	vst v63  }
0x53: {  	s18 =	simm.s32 $0x500;
	s24 =	simm.s32 $0x4500;
	s9 =	sand.u32 $0x1FFFFFF0, s31  }
0x54: {  	s30 =	simm.s32 $0x4580;
	s4 =	spop (v2sf);
	(v2sf) =	vpush v3, $0xB;
	s14 =	sadd.s32 s23, s9  }
0x55: {  	s15 =	sand.u32 $0x1FFFFFF0, s4;
	s17 =	spop (v2sf);
	s4 =	simm.s32 $0x600  }
0x56: {  	[tilespmem:s12], [sflag:$0x1] =	stream.linear.gather [hbm4b:s14+s13], $0x80, $0x38;
	[tilespmem:$0x8500] =	vst v63  }
0x57: {  	s9 =	sadd.s32 s7, s15;
	s8 =	sand.u32 $0x1FFFFFF0, s17;
	s21 =	spop (v2sf)  }
0x58: {  	[tilespmem:s16], [sflag:$0x2] =	stream.linear.gather [hbm4b:s9+s13], $0x80, $0x38;
	[tilespmem:$0x8500] =	vst v63  }
0x59: {  	(v2sf) =	vpush v4, $0xC;
	s8 =	sadd.s32 s23, s8;
	s22 =	spop (v2sf);
	s9 =	sand.u32 $0x1FFFFFF0, s21  }
0x5a: {  	(v2sf) =	vpush v3, $0xC;
	[tilespmem:s18], [sflag:$0x1] =	stream.linear.gather [hbm4b:s8+s13], $0x80, $0x38;
	[tilespmem:$0x8500] =	vst v63  }
0x5b: {  	s26 =	sand.u32 $0x1FFFFFF0, s22;
	s31 =	spop (v2sf);
	s25 =	sadd.s32 s7, s9  }
0x5c: {  	[tilespmem:s24], [sflag:$0x2] =	stream.linear.gather [hbm4b:s25+s13], $0x80, $0x38;
	[tilespmem:$0x8500] =	vst v63  }
0x5d: {  	s9 =	sadd.s32 s23, s26;
	s12 =	spop (v2sf);
	s8 =	sand.u32 $0x1FFFFFF0, s31  }
0x5e: {  	[tilespmem:s1], [sflag:$0x1] =	stream.linear.gather [hbm4b:s9+s13], $0x80, $0x38;
	[tilespmem:$0x8500] =	vst v63  }
0x5f: {  	s14 =	spop (v2sf);
	s8 =	sadd.s32 s7, s8;
	s9 =	sand.u32 $0x1FFFFFF0, s12  }
0x60: {  	[tilespmem:s30], [sflag:$0x2] =	stream.linear.gather [hbm4b:s8+s13], $0x80, $0x38;
	[tilespmem:$0x8500] =	vst v63  }
0x61: {  	s16 =	sand.u32 $0x1FFFFFF0, s14;
	s15 =	sadd.s32 s23, s9;
	s17 =	spop (v2sf)  }
0x62: {  	[tilespmem:s4], [sflag:$0x1] =	stream.linear.gather [hbm4b:s15+s13], $0x80, $0x38;
	[tilespmem:$0x8500] =	vst v63  }
0x63: {  	s3 =	simm.s32 $0x4780;
	s18 =	sadd.s32 s7, s16;
	s22 =	spop (v2sf)  }
0x64: {  	[tilespmem:s0], [sflag:$0x2] =	stream.linear.gather [hbm4b:s18+s13], $0x80, $0x38;
	[tilespmem:$0x8500] =	vst v63  }
0x65: {  	s2 =	simm.s32 $0x4680;
	(v2sf) =	vpush v4, $0xD;
	s21 =	sand.u32 $0x1FFFFFF0, s17;
	s26 =	sand.u32 $0x1FFFFFF0, s22  }
0x66: {  	s24 =	simm.s32 $0x680;
	(v2sf) =	vpush v3, $0xD;
	s25 =	sadd.s32 s23, s21;
	s30 =	sadd.s32 s7, s26  }
0x67: {  	(v2sf) =	vpush v4, $0xE;
	[tilespmem:s24], [sflag:$0x1] =	stream.linear.gather [hbm4b:s25+s13], $0x80, $0x38;
	[tilespmem:$0x8500] =	vst v63  }
0x68: {  	(v2sf) =	vpush v3, $0xE;
	s31 =	spop (v2sf);
	s26 =	simm.s32 $0x4800;
	s24 =	simm.s32 $0x10  }
0x69: {  	s25 =	simm.s32 $0x90;
	(v2sf) =	vpush v4, $0xF;
	s0 =	sand.u32 $0x1FFFFFF0, s31;
	s1 =	spop (v2sf)  }
0x6a: {  	(v2sf) =	vpush v3, $0xF;
	[tilespmem:s2], [sflag:$0x2] =	stream.linear.gather [hbm4b:s30+s13], $0x80, $0x38;
	[tilespmem:$0x8500] =	vst v63  }
.LBB2_3:
0x6b: {  	_ =	sdelay $0x4  }
0x6c: {  	s0 =	sadd.s32 s23, s0;
	s1 =	sand.u32 $0x1FFFFFF0, s1  }
0x6d: {  	[tilespmem:s29], [sflag:$0x1] =	stream.linear.gather [hbm4b:s0+s13], $0x80, $0x38;
	[tilespmem:$0x8500] =	vst v63  }
0x6e: {  	s4 =	sadd.s32 s7, s1  }
0x6f: {  	[tilespmem:s5], [sflag:$0x2] =	stream.linear.gather [hbm4b:s4+s13], $0x80, $0x38;
	[tilespmem:$0x8500] =	vst v63  }
0x70: {  	s2 =	spop (v2sf)  }
0x71: {  	s6 =	sand.u32 $0x1FFFFFF0, s2;
	s8 =	spop (v2sf)  }
0x72: {  	s9 =	sadd.s32 s23, s6;
	s10 =	sand.u32 $0x1FFFFFF0, s8;
	s12 =	spop (v2sf)  }
0x73: {  	[tilespmem:s11], [sflag:$0x1] =	stream.linear.gather [hbm4b:s9+s13], $0x80, $0x38;
	[tilespmem:$0x8500] =	vst v63  }
0x74: {  	s14 =	sadd.s32 s7, s10;
	s15 =	sand.u32 $0x1FFFFFF0, s12;
	s16 =	spop (v2sf)  }
0x75: {  	[tilespmem:s3], [sflag:$0x2] =	stream.linear.gather [hbm4b:s14+s13], $0x80, $0x38;
	[tilespmem:$0x8500] =	vst v63  }
0x76: {  	s17 =	sadd.s32 s23, s15;
	s18 =	sand.u32 $0x1FFFFFF0, s16;
	s21 =	spop (v2sf)  }
0x77: {  	[tilespmem:s28], [sflag:$0x1] =	stream.linear.gather [hbm4b:s17+s13], $0x80, $0x38;
	[tilespmem:$0x8500] =	vst v63  }
0x78: {  	s22 =	sadd.s32 s7, s18;
	s30 =	sand.u32 $0x1FFFFFF0, s21;
	s31 =	spop (v2sf)  }
0x79: {  	[tilespmem:s26], [sflag:$0x2] =	stream.linear.gather [hbm4b:s22+s13], $0x80, $0x38;
	[tilespmem:$0x8500] =	vst v63  }
0x7a: {  	s3 =	sadd.s32 $0x880, s19;
	s1 =	sadd.s32 s23, s30;
	s2 =	sand.u32 $0x1FFFFFF0, s31  }
0x7b: {  	[tilespmem:s3], [sflag:$0x1] =	stream.linear.gather [hbm4b:s1+s13], $0x80, $0x38;
	[tilespmem:$0x8500] =	vst v63  }
0x7c: {  	s4 =	sadd.s32 $0x4880, s19;
	s5 =	sadd.s32 s7, s2  }
0x7d: {  	[tilespmem:s4], [sflag:$0x2] =	stream.linear.gather [hbm4b:s5+s13], $0x80, $0x38;
	[tilespmem:$0x8500] =	vst v63  }
0x7e: {  	v3 =	vld [tilespmem:s24+$0x0];
	_ =	sdelay $0x1  }
0x7f: {  	v5 =	vld [tilespmem:s25+$0x0];
	_ =	sdelay $0x2  }
0x80: {  	v4 =	vshll.u32 v3, $0x4  }
0x81: {  	(v2sf) =	vpush v4, $0x0  }
0x82: {  	s6 =	smov.u32 s20;
	v3 =	vshll.u32 v5, $0x4  }
0x83: {  	s19 =	sshra.s32 s6, $0x2;
	(v2sf) =	vpush v3, $0x0  }
0x84: {  	p0 =	sne.s32 s20, $0xE000;
	s20 =	sadd.s32 $0x2000, s20;
	s31 =	sadd.s32 $0x4100, s19;
	(v2sf) =	vpush v4, $0x1  }
0x85: {  	s10 =	sadd.s32 $0x380, s19;
	s0 =	sadd.s32 $0x580, s19;
	s14 =	sadd.s32 $0x300, s19  }
0x86: {  	s8 =	sadd.s32 $0x4600, s19;
	s18 =	sadd.s32 $0x4280, s19;
	s21 =	sadd.s32 $0x200, s19;
	(v2sf) =	vpush v3, $0x1  }
0x87: {  	s12 =	sadd.s32 $0x4300, s19;
	s30 =	sadd.s32 $0x4180, s19;
	s6 =	sadd.s32 $0x400, s19  }
0x88: {  	s9 =	sadd.s32 $0x4680, s19;
	s11 =	sadd.s32 $0x4780, s19;
	[dreg:$0x8] =	wrdreg s0;
	(v2sf) =	vpush v4, $0x2  }
0x89: {  	s15 =	sadd.s32 $0x600, s19;
	s16 =	sadd.s32 $0x4500, s19;
	[dreg:$0x5] =	wrdreg s8  }
0x8a: {  	s29 =	sadd.s32 $0x700, s19;
	s17 =	sadd.s32 $0x280, s19;
	[dreg:$0x6] =	wrdreg s9;
	(v2sf) =	vpush v3, $0x2  }
0x8b: {  	s8 =	sadd.s32 $0x4700, s19;
	s0 =	sadd.s32 $0x4200, s19;
	[dreg:$0x7] =	wrdreg s11;
	(v2sf) =	vpush v4, $0x3  }
0x8c: {  	s2 =	sadd.s32 $0x4400, s19;
	s9 =	sadd.s32 $0x4580, s19;
	[dreg:$0x9] =	wrdreg s15  }
0x8d: {  	[dreg:$0xc] =	wrdreg s16;
	s11 =	sadd.s32 $0x180, s19;
	s16 =	sadd.s32 $0x4480, s19  }
0x8e: {  	s15 =	sadd.s32 $0x500, s19;
	s28 =	sadd.s32 $0x800, s19;
	[dreg:$0xa] =	wrdreg s9  }
0x8f: {  	s9 =	sadd.s32 $0x480, s19;
	[dreg:$0xd] =	wrdreg s15;
	s26 =	sadd.s32 $0x4800, s19;
	(v2sf) =	vpush v3, $0x3  }
0x90: {  	s3 =	sadd.s32 $0x100, s19;
	s1 =	sadd.s32 $0x780, s19;
	s22 =	spop (v2sf)  }
0x91: {  	s5 =	simm.s32 $0x0;
	(v2sf) =	vpush v4, $0x4;
	s15 =	sand.u32 $0x1FFFFFF0, s22;
	s22 =	sadd.s32 $0x680, s19  }
0x92: {  	s13 =	sadd.s32 $0x4380, s19;
	s4 =	spop (v2sf);
	[dreg:$0xb] =	wrdreg s22  }
0x93: {  	(v2sf) =	vpush v3, $0x4;
	s15 =	sadd.s32 s23, s15;
	s22 =	sand.u32 $0x1FFFFFF0, s4;
	s4 =	spop (v2sf)  }
0x94: {  	[tilespmem:s3], [sflag:$0x1] =	stream.linear.gather [hbm4b:s15+s5], $0x80, $0x38;
	[tilespmem:$0x8500] =	vst v63  }
0x95: {  	(v2sf) =	vpush v4, $0x5;
	s15 =	sadd.s32 s7, s22;
	s4 =	sand.u32 $0x1FFFFFF0, s4;
	s22 =	spop (v2sf)  }
0x96: {  	[tilespmem:s31], [sflag:$0x2] =	stream.linear.gather [hbm4b:s15+s5], $0x80, $0x38;
	[tilespmem:$0x8500] =	vst v63  }
0x97: {  	(v2sf) =	vpush v3, $0x5;
	s4 =	sadd.s32 s23, s4;
	s22 =	sand.u32 $0x1FFFFFF0, s22;
	s31 =	spop (v2sf)  }
0x98: {  	[tilespmem:s11], [sflag:$0x1] =	stream.linear.gather [hbm4b:s4+s5], $0x80, $0x38;
	[tilespmem:$0x8500] =	vst v63  }
0x99: {  	(v2sf) =	vpush v4, $0x6;
	s11 =	sadd.s32 s7, s22;
	s22 =	sand.u32 $0x1FFFFFF0, s31;
	s31 =	spop (v2sf)  }
0x9a: {  	s24 =	sadd.s32 $0x10, s24;
	s25 =	sadd.s32 $0x10, s25;
	s15 =	spop (v2sf)  }
0x9b: {  	(v2sf) =	vpush v3, $0x6;
	[tilespmem:s30], [sflag:$0x2] =	stream.linear.gather [hbm4b:s11+s5], $0x80, $0x38;
	[tilespmem:$0x8500] =	vst v63  }
0x9c: {  	s4 =	sadd.s32 s23, s22;
	(v2sf) =	vpush v4, $0x7;
	s11 =	sand.u32 $0x1FFFFFF0, s31;
	s30 =	sand.u32 $0x1FFFFFF0, s15  }
0x9d: {  	[tilespmem:s21], [sflag:$0x1] =	stream.linear.gather [hbm4b:s4+s5], $0x80, $0x38;
	[tilespmem:$0x8500] =	vst v63  }
0x9e: {  	s31 =	spop (v2sf);
	s22 =	sadd.s32 s7, s11;
	s15 =	sadd.s32 s23, s30  }
0x9f: {  	(v2sf) =	vpush v3, $0x7;
	[tilespmem:s0], [sflag:$0x2] =	stream.linear.gather [hbm4b:s22+s5], $0x80, $0x38;
	[tilespmem:$0x8500] =	vst v63  }
0xa0: {  	s11 =	smov.u32 s1;
	s21 =	sand.u32 $0x1FFFFFF0, s31;
	s22 =	spop (v2sf)  }
0xa1: {  	(v2sf) =	vpush v4, $0x8;
	[tilespmem:s17], [sflag:$0x1] =	stream.linear.gather [hbm4b:s15+s5], $0x80, $0x38;
	[tilespmem:$0x8500] =	vst v63  }
0xa2: {  	s30 =	sadd.s32 s7, s21;
	s31 =	sand.u32 $0x1FFFFFF0, s22;
	s1 =	spop (v2sf)  }
0xa3: {  	[tilespmem:s18], [sflag:$0x2] =	stream.linear.gather [hbm4b:s30+s5], $0x80, $0x38;
	[tilespmem:$0x8500] =	vst v63  }
0xa4: {  	s3 =	sadd.s32 s23, s31;
	s15 =	sand.u32 $0x1FFFFFF0, s1;
	s17 =	spop (v2sf)  }
0xa5: {  	(v2sf) =	vpush v3, $0x8;
	[tilespmem:s14], [sflag:$0x1] =	stream.linear.gather [hbm4b:s3+s5], $0x80, $0x38;
	[tilespmem:$0x8500] =	vst v63  }
0xa6: {  	(v2sf) =	vpush v4, $0x9;
	s18 =	sadd.s32 s7, s15;
	s21 =	sand.u32 $0x1FFFFFF0, s17;
	s22 =	spop (v2sf)  }
0xa7: {  	[tilespmem:s12], [sflag:$0x2] =	stream.linear.gather [hbm4b:s18+s5], $0x80, $0x38;
	[tilespmem:$0x8500] =	vst v63  }
0xa8: {  	(v2sf) =	vpush v3, $0x9;
	s30 =	sadd.s32 s23, s21;
	s31 =	sand.u32 $0x1FFFFFF0, s22;
	s1 =	spop (v2sf)  }
0xa9: {  	[tilespmem:s10], [sflag:$0x1] =	stream.linear.gather [hbm4b:s30+s5], $0x80, $0x38;
	[tilespmem:$0x8500] =	vst v63  }
0xaa: {  	(v2sf) =	vpush v4, $0xA;
	s3 =	sadd.s32 s7, s31;
	s4 =	sand.u32 $0x1FFFFFF0, s1;
	s10 =	spop (v2sf)  }
0xab: {  	s12 =	sadd.s32 s23, s4;
	s14 =	sand.u32 $0x1FFFFFF0, s10;
	s15 =	spop (v2sf)  }
0xac: {  	[tilespmem:s13], [sflag:$0x2] =	stream.linear.gather [hbm4b:s3+s5], $0x80, $0x38;
	[tilespmem:$0x8500] =	vst v63  }
0xad: {  	s5 =	smov.u32 s8;
	s13 =	simm.s32 $0x0;
	s17 =	sadd.s32 s7, s14  }
0xae: {  	(v2sf) =	vpush v3, $0xA;
	s18 =	sand.u32 $0x1FFFFFF0, s15;
	s21 =	spop (v2sf);
	s15 =	rddreg [dreg:$0xc]  }
0xaf: {  	[tilespmem:s6], [sflag:$0x1] =	stream.linear.gather [hbm4b:s12+s13], $0x80, $0x38;
	[tilespmem:$0x8500] =	vst v63  }
0xb0: {  	(v2sf) =	vpush v4, $0xB;
	s22 =	sadd.s32 s23, s18;
	s30 =	sand.u32 $0x1FFFFFF0, s21;
	s31 =	spop (v2sf)  }
0xb1: {  	[tilespmem:s2], [sflag:$0x2] =	stream.linear.gather [hbm4b:s17+s13], $0x80, $0x38;
	[tilespmem:$0x8500] =	vst v63  }
0xb2: {  	s21 =	rddreg [dreg:$0x8];
	s1 =	sadd.s32 s7, s30;
	s2 =	sand.u32 $0x1FFFFFF0, s31  }
0xb3: {  	[tilespmem:s9], [sflag:$0x1] =	stream.linear.gather [hbm4b:s22+s13], $0x80, $0x38;
	[tilespmem:$0x8500] =	vst v63  }
0xb4: {  	(v2sf) =	vpush v3, $0xB;
	s4 =	sadd.s32 s23, s2;
	s3 =	spop (v2sf);
	s9 =	rddreg [dreg:$0xd]  }
0xb5: {  	(v2sf) =	vpush v4, $0xC;
	s6 =	sand.u32 $0x1FFFFFF0, s3;
	s8 =	spop (v2sf);
	s3 =	rddreg [dreg:$0x7]  }
0xb6: {  	[tilespmem:s16], [sflag:$0x2] =	stream.linear.gather [hbm4b:s1+s13], $0x80, $0x38;
	[tilespmem:$0x8500] =	vst v63  }
0xb7: {  	(v2sf) =	vpush v3, $0xC;
	s10 =	sadd.s32 s7, s6;
	s12 =	sand.u32 $0x1FFFFFF0, s8;
	s14 =	spop (v2sf)  }
0xb8: {  	[tilespmem:s9], [sflag:$0x1] =	stream.linear.gather [hbm4b:s4+s13], $0x80, $0x38;
	[tilespmem:$0x8500] =	vst v63  }
0xb9: {  	s16 =	sadd.s32 s23, s12;
	s17 =	sand.u32 $0x1FFFFFF0, s14;
	s18 =	spop (v2sf)  }
0xba: {  	[tilespmem:s15], [sflag:$0x2] =	stream.linear.gather [hbm4b:s10+s13], $0x80, $0x38;
	[tilespmem:$0x8500] =	vst v63  }
0xbb: {  	s22 =	sadd.s32 s7, s17;
	s4 =	rddreg [dreg:$0xa];
	s30 =	sand.u32 $0x1FFFFFF0, s18  }
0xbc: {  	[tilespmem:s21], [sflag:$0x1] =	stream.linear.gather [hbm4b:s16+s13], $0x80, $0x38;
	[tilespmem:$0x8500] =	vst v63  }
0xbd: {  	s6 =	sadd.s32 s23, s30;
	s10 =	rddreg [dreg:$0x9];
	s31 =	spop (v2sf)  }
0xbe: {  	[tilespmem:s4], [sflag:$0x2] =	stream.linear.gather [hbm4b:s22+s13], $0x80, $0x38;
	[tilespmem:$0x8500] =	vst v63  }
0xbf: {  	s8 =	sand.u32 $0x1FFFFFF0, s31;
	s9 =	spop (v2sf);
	s16 =	rddreg [dreg:$0x5]  }
0xc0: {  	[tilespmem:s10], [sflag:$0x1] =	stream.linear.gather [hbm4b:s6+s13], $0x80, $0x38;
	[tilespmem:$0x8500] =	vst v63  }
0xc1: {  	s31 =	rddreg [dreg:$0x6];
	s12 =	sadd.s32 s7, s8;
	s14 =	sand.u32 $0x1FFFFFF0, s9  }
0xc2: {  	(v2sf) =	vpush v4, $0xD;
	[tilespmem:s16], [sflag:$0x2] =	stream.linear.gather [hbm4b:s12+s13], $0x80, $0x38;
	[tilespmem:$0x8500] =	vst v63  }
.Ltmp0:
0xc3: {  	(v2sf) =	vpush v3, $0xD;
	s15 =	spop (v2sf);
	s17 =	sadd.s32 s23, s14;
	(pc) =	sbr.rel @p0 .LBB2_3-.Ltmp0, $4  }
0xc4: {  	(v2sf) =	vpush v4, $0xE;
	s18 =	sand.u32 $0x1FFFFFF0, s15;
	s22 =	rddreg [dreg:$0xb];
	s21 =	spop (v2sf)  }
0xc5: {  	(v2sf) =	vpush v3, $0xE;
	[tilespmem:s22], [sflag:$0x1] =	stream.linear.gather [hbm4b:s17+s13], $0x80, $0x38;
	[tilespmem:$0x8500] =	vst v63  }
0xc6: {  	(v2sf) =	vpush v4, $0xF;
	s30 =	sadd.s32 s7, s18;
	s0 =	sand.u32 $0x1FFFFFF0, s21;
	s1 =	spop (v2sf)  }
0xc7: {  	(v2sf) =	vpush v3, $0xF;
	[tilespmem:s31], [sflag:$0x2] =	stream.linear.gather [hbm4b:s30+s13], $0x80, $0x38;
	[tilespmem:$0x8500] =	vst v63  }
0xc8: {  	_ =	sdelay $0x4  }
0xc9: {  	s0 =	sadd.s32 s23, s0;
	s1 =	sand.u32 $0x1FFFFFF0, s1  }
0xca: {  	[tilespmem:s29], [sflag:$0x1] =	stream.linear.gather [hbm4b:s0+s13], $0x80, $0x38;
	[tilespmem:$0x8500] =	vst v63  }
0xcb: {  	s4 =	sadd.s32 s7, s1  }
0xcc: {  	[tilespmem:s5], [sflag:$0x2] =	stream.linear.gather [hbm4b:s4+s13], $0x80, $0x38;
	[tilespmem:$0x8500] =	vst v63  }
0xcd: {  	s2 =	spop (v2sf)  }
0xce: {  	s6 =	sand.u32 $0x1FFFFFF0, s2;
	s8 =	spop (v2sf)  }
0xcf: {  	s9 =	sadd.s32 s23, s6;
	s10 =	sand.u32 $0x1FFFFFF0, s8;
	s12 =	spop (v2sf)  }
0xd0: {  	[tilespmem:s11], [sflag:$0x1] =	stream.linear.gather [hbm4b:s9+s13], $0x80, $0x38;
	[tilespmem:$0x8500] =	vst v63  }
0xd1: {  	s14 =	sadd.s32 s7, s10;
	s15 =	sand.u32 $0x1FFFFFF0, s12;
	s16 =	spop (v2sf)  }
0xd2: {  	[tilespmem:s3], [sflag:$0x2] =	stream.linear.gather [hbm4b:s14+s13], $0x80, $0x38;
	[tilespmem:$0x8500] =	vst v63  }
0xd3: {  	s17 =	sadd.s32 s23, s15;
	s18 =	sand.u32 $0x1FFFFFF0, s16;
	s20 =	spop (v2sf)  }
0xd4: {  	[tilespmem:s28], [sflag:$0x1] =	stream.linear.gather [hbm4b:s17+s13], $0x80, $0x38;
	[tilespmem:$0x8500] =	vst v63  }
0xd5: {  	s21 =	sadd.s32 s7, s18;
	s22 =	sand.u32 $0x1FFFFFF0, s20;
	s24 =	spop (v2sf)  }
0xd6: {  	[tilespmem:s26], [sflag:$0x2] =	stream.linear.gather [hbm4b:s21+s13], $0x80, $0x38;
	[tilespmem:$0x8500] =	vst v63  }
0xd7: {  	s25 =	sadd.s32 $0x880, s19;
	s1 =	sadd.s32 s23, s22;
	s2 =	sand.u32 $0x1FFFFFF0, s24  }
0xd8: {  	[tilespmem:s25], [sflag:$0x1] =	stream.linear.gather [hbm4b:s1+s13], $0x80, $0x38;
	[tilespmem:$0x8500] =	vst v63  }
0xd9: {  	s29 =	simm.s32 $0x1;
	s28 =	sadd.s32 s7, s2;
	s26 =	sadd.s32 $0x4880, s19  }
0xda: {  	[tilespmem:s26], [sflag:$0x2] =	stream.linear.gather [hbm4b:s28+s13], $0x80, $0x38;
	[tilespmem:$0x8500] =	vst v63  }
0xdb: {  	_ =	swait.ge [sflag:s29], $0x4000  }
0xdc: {  	[sflag:s29] =	ssyncset.done $0x0  }
0xdd: {  	s30 =	simm.s32 $0x2;
	[sflag:s29] =	ssyncadd.s32 $0xFFFFC000  }
0xde: {  	_ =	swait.ge [sflag:s30], $0x4000  }
0xdf: {  	[sflag:s30] =	ssyncset.done $0x0  }
0xe0: {  	s31 =	simm.s32 $0x0;
	[sflag:s30] =	ssyncadd.s32 $0xFFFFC000  }
0xe1: {  	v5 =	vld [tilespmem:s31+$0x800]  }
0xe2: {  	v6 =	vld [tilespmem:s31+$0x4800]  }
0xe3: {  	v7 =	vld [tilespmem:s31+$0x810]  }
0xe4: {  	v8 =	vld [tilespmem:s31+$0x4810]  }
0xe5: {  	v3 =	vld [tilespmem:s31+$0x780]  }
0xe6: {  	v9 =	vld [tilespmem:s31+$0x700]  }
0xe7: {  	v10 =	vld [tilespmem:s31+$0x4700]  }
0xe8: {  	v11 =	vld [tilespmem:s31+$0x710]  }
0xe9: {  	v12 =	vld [tilespmem:s31+$0x4710]  }
0xea: {  	v13 =	vld [tilespmem:s31+$0x680]  }
0xeb: {  	v14 =	vld [tilespmem:s31+$0x4680]  }
0xec: {  	v15 =	vld [tilespmem:s31+$0x690]  }
0xed: {  	v16 =	vld [tilespmem:s31+$0x4690]  }
0xee: {  	v4 =	vld [tilespmem:s31+$0x600]  }
0xef: {  	v17 =	vld [tilespmem:s31+$0x580]  }
0xf0: {  	v18 =	vld [tilespmem:s31+$0x4580]  }
0xf1: {  	v19 =	vld [tilespmem:s31+$0x590]  }
0xf2: {  	v20 =	vld [tilespmem:s31+$0x4590]  }
0xf3: {  	v21 =	vld [tilespmem:s31+$0x500]  }
0xf4: {  	v22 =	vld [tilespmem:s31+$0x4500]  }
0xf5: {  	v23 =	vld [tilespmem:s31+$0x510]  }
0xf6: {  	v24 =	vld [tilespmem:s31+$0x4510]  }
0xf7: {  	v26 =	vld [tilespmem:s31+$0x400]  }
0xf8: {  	v27 =	vld [tilespmem:s31+$0x4400]  }
0xf9: {  	v28 =	vld [tilespmem:s31+$0x410]  }
0xfa: {  	v29 =	vld [tilespmem:s31+$0x4410]  }
0xfb: {  	v30 =	vld [tilespmem:s31+$0x380]  }
0xfc: {  	v31 =	vld [tilespmem:s31+$0x4380]  }
0xfd: {  	v32 =	vld [tilespmem:s31+$0x390]  }
0xfe: {  	v33 =	vld [tilespmem:s31+$0x4390]  }
0xff: {  	v34 =	vld [tilespmem:s31+$0x300];
	v5 =	vmul.f32 v6, v5;
	v6 =	vmul.f32 v8, v7  }
0x100: {  	v7 =	vld [tilespmem:s31+$0x280];
	v8 =	vmul.f32 v10, v9;
	v9 =	vmul.f32 v12, v11  }
0x101: {  	v10 =	vld [tilespmem:s31+$0x4280];
	v11 =	vmul.f32 v14, v13;
	v13 =	vmul.f32 v16, v15  }
0x102: {  	v12 =	vld [tilespmem:s31+$0x290];
	v15 =	vmul.f32 v18, v17;
	v17 =	vmul.f32 v20, v19  }
0x103: {  	v14 =	vld [tilespmem:s31+$0x4290];
	v19 =	vmul.f32 v22, v21;
	v21 =	vmul.f32 v24, v23  }
0x104: {  	v16 =	vld [tilespmem:s31+$0x200];
	v57 =	vmul.f32 v33, v32;
	v5 =	vmul.f32 v5, v0  }
0x105: {  	v18 =	vld [tilespmem:s31+$0x4200];
	v6 =	vmul.f32 v6, v1;
	v8 =	vmul.f32 v8, v0  }
0x106: {  	v20 =	vld [tilespmem:s31+$0x210];
	v9 =	vmul.f32 v9, v1;
	v11 =	vmul.f32 v11, v0  }
0x107: {  	v22 =	vld [tilespmem:s31+$0x4210];
	v13 =	vmul.f32 v13, v1;
	v5 =	vadd.f32 v6, v5;
	v6 =	vmul.f32 v15, v0  }
0x108: {  	v55 =	vld [tilespmem:s31+$0x100];
	v15 =	vmul.f32 v27, v26;
	v8 =	vadd.f32 v9, v8;
	v9 =	vmul.f32 v17, v1  }
0x109: {  	v56 =	vld [tilespmem:s31+$0x180];
	v17 =	vmul.f32 v29, v28;
	v11 =	vadd.f32 v13, v11;
	v13 =	vmul.f32 v19, v0  }
0x10a: {  	v23 =	vld [tilespmem:s31+$0x4100];
	v19 =	vmul.f32 v21, v1;
	v27 =	vmul.f32 v57, v1  }
0x10b: {  	v21 =	vld [tilespmem:s31+$0x110];
	v7 =	vmul.f32 v10, v7;
	v12 =	vmul.f32 v14, v12  }
0x10c: {  	v10 =	vld [tilespmem:s31+$0x190];
	v16 =	vmul.f32 v18, v16;
	v18 =	vmul.f32 v22, v20  }
0x10d: {  	v14 =	vld [tilespmem:s31+$0x4190];
	v6 =	vadd.f32 v9, v6;
	v9 =	vmul.f32 v15, v0;
	v15 =	vmul.f32 v17, v1  }
0x10e: {  	v17 =	vld [tilespmem:s31+$0x4110];
	v13 =	vadd.f32 v19, v13;
	v5 =	vadd.f32 v5, v2;
	v19 =	vmul.f32 v31, v30  }
0x10f: {  	v8 =	vadd.f32 v8, v2;
	v7 =	vmul.f32 v7, v0;
	v9 =	vadd.f32 v15, v9;
	v15 =	vld [tilespmem:s31+$0x4180]  }
0x110: {  	v20 =	vld [tilespmem:s31+$0x4300];
	v11 =	vadd.f32 v11, v2;
	v12 =	vmul.f32 v12, v1;
	v19 =	vmul.f32 v19, v0  }
0x111: {  	v22 =	vld [tilespmem:s31+$0x310];
	v16 =	vmul.f32 v16, v0;
	v6 =	vadd.f32 v6, v2;
	v13 =	vadd.f32 v13, v2;
	(xrf2) =	vadd.scan.msk.f32 $0xffff, v5  }
0x112: {  	v18 =	vmul.f32 v18, v1;
	(xrf2) =	vadd.scan.msk.f32 $0xffff, v8;
	v7 =	vadd.f32 v12, v7;
	v5 =	vadd.f32 v27, v19;
	v19 =	vld [tilespmem:s31+$0x4310]  }
0x113: {  	v25 =	vld [tilespmem:s31+$0x480];
	v8 =	vmul.f32 v23, v55;
	v9 =	vadd.f32 v9, v2;
	(xrf2) =	vadd.scan.msk.f32 $0xffff, v11;
	v12 =	vmul.f32 v17, v21  }
0x114: {  	v10 =	vmul.f32 v14, v10;
	v14 =	vld [tilespmem:s31+$0x490];
	(xrf2) =	vadd.scan.msk.f32 $0xffff, v6;
	v6 =	vadd.f32 v7, v2;
	v11 =	vmul.f32 v15, v56  }
0x115: {  	v7 =	vmul.f32 v8, v0;
	v5 =	vadd.f32 v5, v2;
	v8 =	vmul.f32 v12, v1;
	v12 =	vld [tilespmem:s31+$0x4490]  }
0x116: {  	v17 =	vld [tilespmem:s31+$0x4480];
	(xrf2) =	vadd.scan.msk.f32 $0xffff, v13;
	v13 =	vadd.f32 v18, v16;
	v10 =	vmul.f32 v10, v1;
	v11 =	vmul.f32 v11, v0  }
0x117: {  	v16 =	vld [tilespmem:s31+$0x610];
	(xrf2) =	vadd.scan.msk.f32 $0xffff, v9;
	v7 =	vadd.f32 v8, v7;
	v8 =	vmul.f32 v20, v34;
	v9 =	vmul.f32 v19, v22  }
0x118: {  	v15 =	vld [tilespmem:s31+$0x4600];
	(xrf2) =	vadd.scan.msk.f32 $0xffff, v5;
	v5 =	vadd.f32 v13, v2;
	v10 =	vadd.f32 v10, v11  }
0x119: {  	(xrf2) =	vadd.scan.msk.f32 $0xffff, v6;
	v11 =	vld [tilespmem:s31+$0x4610];
	v6 =	vadd.f32 v7, v2;
	v7 =	vmul.f32 v8, v0;
	v8 =	vmul.f32 v9, v1  }
0x11a: {  	v13 =	vld [tilespmem:s31+$0x790];
	(xrf2) =	vadd.scan.msk.f32 $0xffff, v5;
	v12 =	vmul.f32 v12, v14  }
0x11b: {  	v9 =	vld [tilespmem:s31+$0x4780];
	v5 =	vadd.f32 v10, v2;
	v10 =	vmul.f32 v17, v25;
	(xrf2) =	vadd.scan.msk.f32 $0xffff, v6;
	v6 =	vadd.f32 v8, v7  }
0x11c: {  	v7 =	vld [tilespmem:s31+$0x4790]  }
0x11d: {  	v18 =	vld [tilespmem:s31+$0x4890];
	v12 =	vmul.f32 v12, v1;
	v10 =	vmul.f32 v10, v0;
	v6 =	vadd.f32 v6, v2  }
0x11e: {  	v14 =	vld [tilespmem:s31+$0x880];
	v4 =	vmul.f32 v15, v4;
	v8, _, _ =	vpop (xrf2);
	(xrf2) =	vadd.scan.msk.f32 $0xffff, v5;
	v11 =	vmul.f32 v11, v16  }
0x11f: {  	v5, _, _ =	vpop (xrf2);
	v10 =	vadd.f32 v12, v10;
	v12 =	vld [tilespmem:s31+$0x890];
	(xrf2) =	vadd.scan.msk.f32 $0xffff, v6  }
0x120: {  	v15 =	vld [tilespmem:s31+$0x4880];
	v4 =	vmul.f32 v4, v0;
	v16, _, _ =	vpop (xrf2);
	v11 =	vmul.f32 v11, v1  }
0x121: {  	v3 =	vmul.f32 v9, v3;
	v7 =	vmul.f32 v7, v13;
	v17, _, _ =	vpop (xrf2);
	v10 =	vadd.f32 v10, v2  }
0x122: {  	v6, _, _ =	vpop (xrf2)  }
0x123: {  	v3 =	vmul.f32 v3, v0;
	v4 =	vadd.f32 v11, v4;
	v7 =	vmul.f32 v7, v1;
	v9, _, _ =	vpop (xrf2)  }
0x124: {  	(xrf2) =	vadd.scan.msk.f32 $0xffff, v10;
	v11, _, _ =	vpop (xrf2);
	v12 =	vmul.f32 v18, v12  }
0x125: {  	v4 =	vadd.f32 v4, v2;
	v3 =	vadd.f32 v7, v3;
	v7 =	vmul.f32 v15, v14;
	v10, _, _ =	vpop (xrf2)  }
0x126: {  	v13, _, _ =	vpop (xrf2)  }
0x127: {  	(xrf2) =	vadd.scan.msk.f32 $0xffff, v4;
	v4 =	vmul.f32 v7, v0;
	v7 =	vmul.f32 v12, v1;
	v14, _, _ =	vpop (xrf2)  }
0x128: {  	v3 =	vadd.f32 v3, v2;
	v12, _, _ =	vpop (xrf2);
	v14 =	vbroadcast v14, $0xF  }
0x129: {  	v4 =	vadd.f32 v7, v4;
	v7 =	vbroadcast v10, $0xF;
	v12 =	vbroadcast v12, $0xF;
	v10, _, _ =	vpop (xrf2)  }
0x12a: {  	v13 =	vbroadcast v13, $0xF;
	v10 =	vbroadcast v10, $0xF  }
0x12b: {  	(xrf2) =	vadd.scan.msk.f32 $0xffff, v3;
	v3 =	vsel vm0, v14, v12  }
0x12c: {  	v3 =	vsel vm1, v3, v13  }
0x12d: {  	v4 =	vadd.f32 v4, v2;
	v3 =	vsel vm2, v3, v7;
	v7 =	vbroadcast v11, $0xF  }
0x12e: {  	v9 =	vbroadcast v9, $0xF;
	v3 =	vsel vm3, v3, v10;
	v10, _, _ =	vpop (xrf2)  }
0x12f: {  	(xrf2) =	vadd.scan.msk.f32 $0xffff, v4;
	v3 =	vsel vm4, v3, v7;
	v4 =	vbroadcast v10, $0xF  }
0x130: {  	v6 =	vbroadcast v6, $0xF;
	v3 =	vsel vm5, v3, v9  }
0x131: {  	v3 =	vsel vm6, v3, v4;
	v7, _, _ =	vpop (xrf2)  }
0x132: {  	v3 =	vsel vm7, v3, v6;
	v6 =	vbroadcast v7, $0xF  }
0x133: {  	v4 =	vbroadcast v17, $0xF;
	_ =	sdelay $0x1  }
0x134: {  	v3 =	vsel vm8, v3, v4;
	v4 =	vbroadcast v16, $0xF  }
0x135: {  	v3 =	vsel vm9, v3, v6;
	v6, _, _ =	vpop (xrf2)  }
0x136: {  	v5 =	vbroadcast v5, $0xF;
	v3 =	vsel vm10, v3, v4;
	v4 =	vbroadcast v6, $0xF;
	_ =	sdelay $0x1  }
0x137: {  	v3 =	vsel vm11, v3, v5;
	v5 =	vbroadcast v8, $0xF  }
0x138: {  	v3 =	vsel vm12, v3, v4  }
0x139: {  	v3 =	vsel vm13, v3, v5;
	v4, _, _ =	vpop (xrf2)  }
0x13a: {  	s1 =	rddreg [dreg:$0x13];
	v3 =	vsel vm14, v3, v4  }
0x13b: {  	s20 =	simm.s32 $0x800;
	[tilespmem:s1+$0x0] =	vst v3  }
0x13c: {  	v5 =	vld [tilespmem:s20+$0x800]  }
0x13d: {  	v6 =	vld [tilespmem:s20+$0x4800]  }
0x13e: {  	v8 =	vld [tilespmem:s20+$0x810]  }
0x13f: {  	v9 =	vld [tilespmem:s20+$0x4810]  }
0x140: {  	v3 =	vld [tilespmem:s20+$0x780]  }
0x141: {  	v10 =	vld [tilespmem:s20+$0x700]  }
0x142: {  	v11 =	vld [tilespmem:s20+$0x4700]  }
0x143: {  	v12 =	vld [tilespmem:s20+$0x710]  }
0x144: {  	v13 =	vld [tilespmem:s20+$0x4710]  }
0x145: {  	v14 =	vld [tilespmem:s20+$0x680]  }
0x146: {  	v15 =	vld [tilespmem:s20+$0x4680]  }
0x147: {  	v16 =	vld [tilespmem:s20+$0x690]  }
0x148: {  	v17 =	vld [tilespmem:s20+$0x4690]  }
0x149: {  	v4 =	vld [tilespmem:s20+$0x600]  }
0x14a: {  	v18 =	vld [tilespmem:s20+$0x580]  }
0x14b: {  	v19 =	vld [tilespmem:s20+$0x4580]  }
0x14c: {  	v20 =	vld [tilespmem:s20+$0x590]  }
0x14d: {  	v21 =	vld [tilespmem:s20+$0x4590]  }
0x14e: {  	v22 =	vld [tilespmem:s20+$0x500]  }
0x14f: {  	v23 =	vld [tilespmem:s20+$0x4500]  }
0x150: {  	v58 =	vld [tilespmem:s20+$0x510]  }
0x151: {  	v59 =	vld [tilespmem:s20+$0x4510]  }
0x152: {  	v7 =	vld [tilespmem:s20+$0x480]  }
0x153: {  	v60 =	vld [tilespmem:s20+$0x400]  }
0x154: {  	v61 =	vld [tilespmem:s20+$0x410];
	v5 =	vmul.f32 v6, v5;
	v8 =	vmul.f32 v9, v8  }
0x155: {  	v62 =	vld [tilespmem:s20+$0x210];
	v9 =	vmul.f32 v11, v10;
	v11 =	vmul.f32 v13, v12  }
0x156: {  	v63 =	vld [tilespmem:s20+$0x4210];
	v5 =	vmul.f32 v5, v0;
	v8 =	vmul.f32 v8, v1  }
0x157: {  	v6 =	vld [tilespmem:s20+$0x4400];
	v13 =	vmul.f32 v15, v14;
	v15 =	vmul.f32 v17, v16  }
0x158: {  	v10 =	vld [tilespmem:s20+$0x4410];
	v9 =	vmul.f32 v9, v0;
	v11 =	vmul.f32 v11, v1;
	v5 =	vadd.f32 v8, v5  }
0x159: {  	v12 =	vld [tilespmem:s20+$0x380];
	v17 =	vmul.f32 v19, v18;
	v13 =	vmul.f32 v13, v0  }
0x15a: {  	v14 =	vld [tilespmem:s20+$0x4380];
	v15 =	vmul.f32 v15, v1;
	v11 =	vadd.f32 v11, v9;
	v5 =	vadd.f32 v5, v2  }
0x15b: {  	v16 =	vld [tilespmem:s20+$0x390];
	v18 =	vmul.f32 v21, v20  }
0x15c: {  	v17 =	vmul.f32 v17, v0;
	v8 =	vld [tilespmem:s20+$0x4390];
	v13 =	vadd.f32 v15, v13;
	v11 =	vadd.f32 v11, v2;
	(xrf2) =	vadd.scan.msk.f32 $0xffff, v5  }
0x15d: {  	v19 =	vld [tilespmem:s20+$0x4280];
	v18 =	vmul.f32 v18, v1;
	v6 =	vmul.f32 v6, v60  }
0x15e: {  	v20 =	vld [tilespmem:s20+$0x4290];
	v21 =	vmul.f32 v59, v58;
	v13 =	vadd.f32 v13, v2;
	(xrf2) =	vadd.scan.msk.f32 $0xffff, v11;
	v11 =	vmul.f32 v23, v22  }
0x15f: {  	v9 =	vld [tilespmem:s20+$0x300];
	v17 =	vadd.f32 v18, v17;
	v10 =	vmul.f32 v10, v61;
	v6 =	vmul.f32 v6, v0  }
0x160: {  	v15 =	vld [tilespmem:s20+$0x280];
	(xrf2) =	vadd.scan.msk.f32 $0xffff, v13;
	v13 =	vmul.f32 v21, v1;
	v11 =	vmul.f32 v11, v0  }
0x161: {  	v18 =	vmul.f32 v10, v1;
	v5 =	vld [tilespmem:s20+$0x290];
	v8 =	vmul.f32 v8, v16;
	v16 =	vadd.f32 v17, v2  }
0x162: {  	v14 =	vmul.f32 v14, v12;
	v12 =	vld [tilespmem:s20+$0x110];
	v13 =	vadd.f32 v13, v11  }
0x163: {  	v10 =	vld [tilespmem:s20+$0x4100];
	v6 =	vadd.f32 v18, v6;
	(xrf2) =	vadd.scan.msk.f32 $0xffff, v16  }
0x164: {  	v22 =	vld [tilespmem:s20+$0x200];
	v17 =	vmul.f32 v14, v0;
	v8 =	vmul.f32 v8, v1;
	v18 =	vadd.f32 v13, v2  }
0x165: {  	v23 =	vld [tilespmem:s20+$0x4200]  }
0x166: {  	v14 =	vld [tilespmem:s20+$0x4110];
	v20 =	vmul.f32 v20, v5;
	v8 =	vadd.f32 v8, v17;
	v5, _, _ =	vpop (xrf2);
	(xrf2) =	vadd.scan.msk.f32 $0xffff, v18  }
0x167: {  	v19 =	vmul.f32 v19, v15;
	v15 =	vld [tilespmem:s20+$0x4180];
	v16 =	vadd.f32 v6, v2  }
0x168: {  	v11 =	vld [tilespmem:s20+$0x100]  }
0x169: {  	v13 =	vld [tilespmem:s20+$0x180];
	v18 =	vmul.f32 v19, v0;
	v19 =	vmul.f32 v20, v1;
	v6, _, _ =	vpop (xrf2);
	(xrf2) =	vadd.scan.msk.f32 $0xffff, v16  }
0x16a: {  	s21 =	simm.s32 $0x4000;
	s19 =	smov.u32 s1;
	v21 =	vmul.f32 v23, v22;
	v17 =	vadd.f32 v8, v2;
	v20 =	vmul.f32 v63, v62;
	v16 =	vld [tilespmem:s20+$0x190];
	v8, _, _ =	vpop (xrf2)  }
.LBB2_5:
0x16b: {  	p0 =	sne.s32 s21, $0xE000;
	v22 =	vld [tilespmem:s20+$0x4190];
	v18 =	vadd.f32 v19, v18  }
0x16c: {  	v19 =	vmul.f32 v21, v0;
	v20 =	vmul.f32 v20, v1;
	v21 =	vld [tilespmem:s20+$0x4300];
	(xrf2) =	vadd.scan.msk.f32 $0xffff, v17  }
0x16d: {  	v10 =	vmul.f32 v10, v11;
	v11 =	vmul.f32 v14, v12;
	v12 =	vadd.f32 v18, v2;
	v14 =	vld [tilespmem:s20+$0x310];
	v17, _, _ =	vpop (xrf2)  }
0x16e: {  	v23 =	vadd.f32 v20, v19;
	v19 =	vld [tilespmem:s20+$0x4310]  }
0x16f: {  	v10 =	vmul.f32 v10, v0;
	v11 =	vmul.f32 v11, v1;
	v20 =	vld [tilespmem:s20+$0x4480];
	(xrf2) =	vadd.scan.msk.f32 $0xffff, v12  }
0x170: {  	v12 =	vmul.f32 v15, v13;
	v13 =	vmul.f32 v22, v16;
	v15 =	vadd.f32 v23, v2;
	v16 =	vld [tilespmem:s20+$0x490];
	v18, _, _ =	vpop (xrf2)  }
0x171: {  	v10 =	vadd.f32 v11, v10;
	v11 =	vld [tilespmem:s20+$0x4490]  }
0x172: {  	v12 =	vmul.f32 v12, v0;
	v13 =	vmul.f32 v13, v1;
	v22 =	vld [tilespmem:s20+$0x4600];
	(xrf2) =	vadd.scan.msk.f32 $0xffff, v15  }
0x173: {  	v9 =	vmul.f32 v21, v9;
	v10 =	vadd.f32 v10, v2;
	v14 =	vmul.f32 v19, v14;
	v15 =	vld [tilespmem:s20+$0x610];
	v19, _, _ =	vpop (xrf2)  }
0x174: {  	v12 =	vadd.f32 v13, v12;
	v13 =	vld [tilespmem:s20+$0x4610]  }
0x175: {  	v9 =	vmul.f32 v9, v0;
	v14 =	vmul.f32 v14, v1;
	v21 =	vld [tilespmem:s20+$0x4780];
	(xrf2) =	vadd.scan.msk.f32 $0xffff, v10  }
0x176: {  	v7 =	vmul.f32 v20, v7;
	v10 =	vadd.f32 v12, v2;
	v11 =	vmul.f32 v11, v16;
	v12 =	vld [tilespmem:s20+$0x790];
	v16, _, _ =	vpop (xrf2)  }
0x177: {  	v9 =	vadd.f32 v14, v9;
	v14 =	vld [tilespmem:s20+$0x4790]  }
0x178: {  	v7 =	vmul.f32 v7, v0;
	v11 =	vmul.f32 v11, v1;
	v20 =	vld [tilespmem:s20+$0x880];
	(xrf2) =	vadd.scan.msk.f32 $0xffff, v10  }
0x179: {  	v4 =	vmul.f32 v22, v4;
	v9 =	vadd.f32 v9, v2;
	v10 =	vmul.f32 v13, v15;
	v13 =	vld [tilespmem:s20+$0x4880];
	v15, _, _ =	vpop (xrf2)  }
0x17a: {  	v7 =	vadd.f32 v11, v7;
	v11 =	vld [tilespmem:s20+$0x890]  }
0x17b: {  	v4 =	vmul.f32 v4, v0;
	v10 =	vmul.f32 v10, v1;
	v22 =	vld [tilespmem:s20+$0x4890];
	(xrf2) =	vadd.scan.msk.f32 $0xffff, v9  }
0x17c: {  	v3 =	vmul.f32 v21, v3;
	v23 =	vadd.f32 v7, v2;
	v9 =	vmul.f32 v14, v12;
	v12, _, _ =	vpop (xrf2)  }
0x17d: {  	v4 =	vadd.f32 v10, v4  }
0x17e: {  	v3 =	vmul.f32 v3, v0;
	v9 =	vmul.f32 v9, v1;
	(xrf2) =	vadd.scan.msk.f32 $0xffff, v23  }
0x17f: {  	v4 =	vadd.f32 v4, v2;
	v7, _, _ =	vpop (xrf2)  }
0x180: {  	v3 =	vadd.f32 v9, v3;
	v9 =	vmul.f32 v13, v20;
	v11 =	vmul.f32 v22, v11  }
0x181: {  	(xrf2) =	vadd.scan.msk.f32 $0xffff, v4  }
0x182: {  	v3 =	vadd.f32 v3, v2;
	v4 =	vmul.f32 v9, v0;
	v13 =	vmul.f32 v11, v1;
	v10, _, _ =	vpop (xrf2)  }
0x183: {  	v7 =	vbroadcast v7, $0xF;
	v10 =	vbroadcast v10, $0xF  }
0x184: {  	v11 =	vbroadcast v12, $0xF;
	v4 =	vadd.f32 v13, v4;
	(xrf2) =	vadd.scan.msk.f32 $0xffff, v3  }
0x185: {  	v3 =	vsel vm0, v7, v10;
	v7 =	vbroadcast v15, $0xF;
	v9, _, _ =	vpop (xrf2)  }
0x186: {  	v3 =	vsel vm1, v3, v11;
	v9 =	vbroadcast v9, $0xF;
	v4 =	vadd.f32 v4, v2  }
0x187: {  	v3 =	vsel vm2, v3, v7;
	v7 =	vbroadcast v16, $0xF  }
0x188: {  	v11 =	vbroadcast v19, $0xF;
	v3 =	vsel vm3, v3, v9;
	v10, _, _ =	vpop (xrf2);
	(xrf2) =	vadd.scan.msk.f32 $0xffff, v4  }
0x189: {  	v3 =	vsel vm4, v3, v7;
	v4 =	vbroadcast v10, $0xF  }
0x18a: {  	v7 =	vbroadcast v18, $0xF;
	v3 =	vsel vm5, v3, v11  }
0x18b: {  	v3 =	vsel vm6, v3, v4;
	v4 =	vbroadcast v17, $0xF;
	v9, _, _ =	vpop (xrf2)  }
0x18c: {  	v3 =	vsel vm7, v3, v7;
	v9 =	vbroadcast v9, $0xF  }
0x18d: {  	v3 =	vsel vm8, v3, v4;
	v4 =	vbroadcast v8, $0xF  }
0x18e: {  	v6 =	vbroadcast v6, $0xF;
	v3 =	vsel vm9, v3, v9;
	v7, _, _ =	vpop (xrf2)  }
0x18f: {  	v3 =	vsel vm10, v3, v4;
	v7 =	vbroadcast v7, $0xF  }
0x190: {  	v5 =	vbroadcast v5, $0xF;
	v3 =	vsel vm11, v3, v6  }
0x191: {  	v3 =	vsel vm12, v3, v7  }
0x192: {  	v3 =	vsel vm13, v3, v5;
	v4, _, _ =	vpop (xrf2)  }
0x193: {  	s19 =	sadd.s32 $0x10, s19;
	v3 =	vsel vm14, v3, v4  }
0x194: {  	s20 =	sshra.s32 s21, $0x2;
	[tilespmem:s19+$0x0] =	vst v3  }
0x195: {  	v5 =	vld [tilespmem:s20+$0x800]  }
0x196: {  	v6 =	vld [tilespmem:s20+$0x4800]  }
0x197: {  	v8 =	vld [tilespmem:s20+$0x810]  }
0x198: {  	v9 =	vld [tilespmem:s20+$0x4810]  }
0x199: {  	v3 =	vld [tilespmem:s20+$0x780]  }
0x19a: {  	v10 =	vld [tilespmem:s20+$0x700]  }
0x19b: {  	v11 =	vld [tilespmem:s20+$0x4700]  }
0x19c: {  	v12 =	vld [tilespmem:s20+$0x710]  }
0x19d: {  	v13 =	vld [tilespmem:s20+$0x4710]  }
0x19e: {  	v14 =	vld [tilespmem:s20+$0x680]  }
0x19f: {  	v15 =	vld [tilespmem:s20+$0x4680]  }
0x1a0: {  	v16 =	vld [tilespmem:s20+$0x690]  }
0x1a1: {  	v17 =	vld [tilespmem:s20+$0x4690]  }
0x1a2: {  	v4 =	vld [tilespmem:s20+$0x600]  }
0x1a3: {  	v18 =	vld [tilespmem:s20+$0x580]  }
0x1a4: {  	v19 =	vld [tilespmem:s20+$0x4580]  }
0x1a5: {  	v20 =	vld [tilespmem:s20+$0x590]  }
0x1a6: {  	v21 =	vld [tilespmem:s20+$0x4590]  }
0x1a7: {  	v22 =	vld [tilespmem:s20+$0x500]  }
0x1a8: {  	v23 =	vld [tilespmem:s20+$0x4500]  }
0x1a9: {  	v24 =	vld [tilespmem:s20+$0x510]  }
0x1aa: {  	v25 =	vld [tilespmem:s20+$0x4510]  }
0x1ab: {  	v5 =	vmul.f32 v6, v5;
	v6 =	vmul.f32 v9, v8;
	v7 =	vld [tilespmem:s20+$0x480]  }
0x1ac: {  	v8 =	vld [tilespmem:s20+$0x400]  }
0x1ad: {  	v5 =	vmul.f32 v5, v0;
	v6 =	vmul.f32 v6, v1;
	v26 =	vld [tilespmem:s20+$0x4400]  }
0x1ae: {  	v9 =	vmul.f32 v11, v10;
	v10 =	vmul.f32 v13, v12;
	v27 =	vld [tilespmem:s20+$0x410]  }
0x1af: {  	v5 =	vadd.f32 v6, v5;
	v11 =	vld [tilespmem:s20+$0x4410]  }
0x1b0: {  	v9 =	vmul.f32 v9, v0;
	v10 =	vmul.f32 v10, v1;
	v6 =	vld [tilespmem:s20+$0x380]  }
0x1b1: {  	v5 =	vadd.f32 v5, v2;
	v13 =	vmul.f32 v15, v14;
	v14 =	vmul.f32 v17, v16;
	v12 =	vld [tilespmem:s20+$0x4380]  }
0x1b2: {  	v10 =	vadd.f32 v10, v9;
	v15 =	vld [tilespmem:s20+$0x390]  }
0x1b3: {  	v13 =	vmul.f32 v13, v0;
	v14 =	vmul.f32 v14, v1;
	v16 =	vld [tilespmem:s20+$0x4390];
	(xrf2) =	vadd.scan.msk.f32 $0xffff, v5  }
0x1b4: {  	v10 =	vadd.f32 v10, v2;
	v17 =	vmul.f32 v21, v20;
	v5 =	vmul.f32 v19, v18;
	v9 =	vld [tilespmem:s20+$0x300]  }
0x1b5: {  	v13 =	vadd.f32 v14, v13;
	v18 =	vld [tilespmem:s20+$0x280]  }
0x1b6: {  	v14 =	vmul.f32 v17, v1;
	v5 =	vmul.f32 v5, v0;
	v19 =	vld [tilespmem:s20+$0x4280];
	(xrf2) =	vadd.scan.msk.f32 $0xffff, v10  }
0x1b7: {  	v13 =	vadd.f32 v13, v2;
	v20 =	vmul.f32 v25, v24;
	v10 =	vmul.f32 v23, v22;
	v17 =	vld [tilespmem:s20+$0x290]  }
0x1b8: {  	v5 =	vadd.f32 v14, v5;
	v21 =	vld [tilespmem:s20+$0x4290]  }
0x1b9: {  	v14 =	vmul.f32 v20, v1;
	v10 =	vmul.f32 v10, v0;
	v22 =	vld [tilespmem:s20+$0x200];
	(xrf2) =	vadd.scan.msk.f32 $0xffff, v13  }
0x1ba: {  	v8 =	vmul.f32 v26, v8;
	v11 =	vmul.f32 v11, v27;
	v25 =	vadd.f32 v5, v2;
	v20 =	vld [tilespmem:s20+$0x4200]  }
0x1bb: {  	v13 =	vadd.f32 v14, v10;
	v23 =	vld [tilespmem:s20+$0x210]  }
0x1bc: {  	v8 =	vmul.f32 v8, v0;
	v14 =	vmul.f32 v11, v1;
	v24 =	vld [tilespmem:s20+$0x4210];
	(xrf2) =	vadd.scan.msk.f32 $0xffff, v25  }
0x1bd: {  	v15 =	vmul.f32 v16, v15;
	v25 =	vmul.f32 v12, v6;
	v13 =	vadd.f32 v13, v2;
	v10 =	vld [tilespmem:s20+$0x4100];
	v5, _, _ =	vpop (xrf2)  }
0x1be: {  	v8 =	vadd.f32 v14, v8;
	v11 =	vld [tilespmem:s20+$0x100]  }
.Ltmp1:
0x1bf: {  	v15 =	vmul.f32 v15, v1;
	v16 =	vmul.f32 v25, v0;
	v12 =	vld [tilespmem:s20+$0x110];
	(xrf2) =	vadd.scan.msk.f32 $0xffff, v13;
	(pc) =	sbr.rel @p0 .LBB2_5-.Ltmp1, $4  }
0x1c0: {  	v18 =	vmul.f32 v19, v18;
	v17 =	vmul.f32 v21, v17;
	v26 =	vadd.f32 v8, v2;
	v14 =	vld [tilespmem:s20+$0x4110];
	v6, _, _ =	vpop (xrf2)  }
0x1c1: {  	v25 =	vadd.f32 v15, v16;
	v13 =	vld [tilespmem:s20+$0x180]  }
0x1c2: {  	v18 =	vmul.f32 v18, v0;
	v19 =	vmul.f32 v17, v1;
	v15 =	vld [tilespmem:s20+$0x4180];
	(xrf2) =	vadd.scan.msk.f32 $0xffff, v26  }
0x1c3: {  	s21 =	sadd.s32 $0x2000, s21;
	v21 =	vmul.f32 v20, v22;
	v20 =	vmul.f32 v24, v23;
	v17 =	vadd.f32 v25, v2;
	v16 =	vld [tilespmem:s20+$0x190];
	v8, _, _ =	vpop (xrf2)  }
0x1c4: {  	v22 =	vld [tilespmem:s20+$0x4190]  }
0x1c5: {  	v23 =	vld [tilespmem:s20+$0x4300]  }
0x1c6: {  	v58 =	vld [tilespmem:s20+$0x310]  }
0x1c7: {  	v10 =	vmul.f32 v10, v11;
	v59 =	vld [tilespmem:s20+$0x4310];
	v21 =	vmul.f32 v21, v0  }
0x1c8: {  	v60 =	vld [tilespmem:s20+$0x4480];
	v18 =	vadd.f32 v19, v18;
	v20 =	vmul.f32 v20, v1;
	v12 =	vmul.f32 v14, v12  }
0x1c9: {  	v61 =	vld [tilespmem:s20+$0x490];
	v13 =	vmul.f32 v15, v13;
	v16 =	vmul.f32 v22, v16  }
0x1ca: {  	v63 =	vld [tilespmem:s20+$0x4490];
	v10 =	vmul.f32 v10, v0;
	v18 =	vadd.f32 v18, v2;
	v12 =	vmul.f32 v12, v1  }
0x1cb: {  	v25 =	vld [tilespmem:s20+$0x4600];
	v62 =	vadd.f32 v20, v21;
	v21 =	vmul.f32 v13, v0;
	v24 =	vmul.f32 v16, v1  }
0x1cc: {  	v26 =	vld [tilespmem:s20+$0x610];
	v10 =	vadd.f32 v12, v10;
	v9 =	vmul.f32 v23, v9;
	v11 =	vmul.f32 v59, v58  }
0x1cd: {  	v28 =	vld [tilespmem:s20+$0x4610];
	(xrf2) =	vadd.scan.msk.f32 $0xffff, v17;
	v27 =	vadd.f32 v62, v2;
	v12 =	vadd.f32 v24, v21  }
0x1ce: {  	v29 =	vld [tilespmem:s20+$0x4780];
	(xrf2) =	vadd.scan.msk.f32 $0xffff, v18;
	v10 =	vadd.f32 v10, v2;
	v9 =	vmul.f32 v9, v0;
	v11 =	vmul.f32 v11, v1  }
0x1cf: {  	v31 =	vld [tilespmem:s20+$0x790];
	v7 =	vmul.f32 v60, v7;
	v30 =	vmul.f32 v63, v61;
	(xrf2) =	vadd.scan.msk.f32 $0xffff, v27;
	v12 =	vadd.f32 v12, v2  }
0x1d0: {  	v32 =	vld [tilespmem:s20+$0x4790];
	(xrf2) =	vadd.scan.msk.f32 $0xffff, v10;
	v9 =	vadd.f32 v11, v9  }
0x1d1: {  	v34 =	vld [tilespmem:s20+$0x880];
	v7 =	vmul.f32 v7, v0;
	v33 =	vmul.f32 v30, v1;
	(xrf2) =	vadd.scan.msk.f32 $0xffff, v12  }
0x1d2: {  	v36 =	vld [tilespmem:s20+$0x4880];
	v4 =	vmul.f32 v25, v4;
	v35 =	vmul.f32 v28, v26;
	v9 =	vadd.f32 v9, v2  }
0x1d3: {  	v37 =	vld [tilespmem:s20+$0x890];
	v7 =	vadd.f32 v33, v7  }
0x1d4: {  	v39 =	vld [tilespmem:s20+$0x4890];
	v38, _, _ =	vpop (xrf2);
	v4 =	vmul.f32 v4, v0;
	v12 =	vmul.f32 v35, v1;
	(xrf2) =	vadd.scan.msk.f32 $0xffff, v9  }
0x1d5: {  	v40, _, _ =	vpop (xrf2);
	v3 =	vmul.f32 v29, v3;
	v10 =	vmul.f32 v32, v31;
	v7 =	vadd.f32 v7, v2  }
0x1d6: {  	v41, _, _ =	vpop (xrf2);
	v4 =	vadd.f32 v12, v4  }
0x1d7: {  	v3 =	vmul.f32 v3, v0;
	v42, _, _ =	vpop (xrf2);
	v10 =	vmul.f32 v10, v1;
	(xrf2) =	vadd.scan.msk.f32 $0xffff, v7  }
0x1d8: {  	v43, _, _ =	vpop (xrf2);
	v4 =	vadd.f32 v4, v2  }
0x1d9: {  	v45 =	vmul.f32 v36, v34;
	v11 =	vmul.f32 v39, v37;
	v3 =	vadd.f32 v10, v3;
	v44, _, _ =	vpop (xrf2)  }
0x1da: {  	v46, _, _ =	vpop (xrf2);
	(xrf2) =	vadd.scan.msk.f32 $0xffff, v4  }
0x1db: {  	v47 =	vmul.f32 v45, v0;
	v48 =	vmul.f32 v11, v1;
	v3 =	vadd.f32 v3, v2;
	v49, _, _ =	vpop (xrf2)  }
0x1dc: {  	v13 =	vbroadcast v46, $0xF;
	v11 =	vbroadcast v49, $0xF  }
0x1dd: {  	v50 =	vbroadcast v44, $0xF;
	v4 =	vadd.f32 v48, v47;
	(xrf2) =	vadd.scan.msk.f32 $0xffff, v3  }
0x1de: {  	v7 =	vbroadcast v43, $0xF;
	v51, _, _ =	vpop (xrf2);
	v3 =	vsel vm0, v13, v11  }
0x1df: {  	v4 =	vadd.f32 v4, v2;
	v10 =	vbroadcast v51, $0xF;
	v3 =	vsel vm1, v3, v50  }
0x1e0: {  	v52 =	vbroadcast v42, $0xF;
	v3 =	vsel vm2, v3, v7  }
0x1e1: {  	v53 =	vbroadcast v41, $0xF;
	(xrf2) =	vadd.scan.msk.f32 $0xffff, v4;
	v54, _, _ =	vpop (xrf2);
	v3 =	vsel vm3, v3, v10  }
0x1e2: {  	v55 =	vbroadcast v54, $0xF;
	v3 =	vsel vm4, v3, v52  }
0x1e3: {  	v56 =	vbroadcast v40, $0xF;
	v3 =	vsel vm5, v3, v53  }
0x1e4: {  	v57 =	vbroadcast v38, $0xF;
	v58, _, _ =	vpop (xrf2);
	v3 =	vsel vm6, v3, v55  }
0x1e5: {  	v59 =	vbroadcast v58, $0xF;
	v3 =	vsel vm7, v3, v56  }
0x1e6: {  	s2 =	rddreg [dreg:$0x14];
	v60 =	vbroadcast v8, $0xF;
	v3 =	vsel vm8, v3, v57  }
0x1e7: {  	v6 =	vbroadcast v6, $0xF;
	s2 =	sadd.s32 $0x1, s2;
	v61, _, _ =	vpop (xrf2);
	v3 =	vsel vm9, v3, v59  }
0x1e8: {  	p0 =	sne.s32 s2, $0x4;
	v62 =	vbroadcast v61, $0xF;
	v3 =	vsel vm10, v3, v60  }
.Ltmp2:
0x1e9: {  	v5 =	vbroadcast v5, $0xF;
	v3 =	vsel vm11, v3, v6;
	(pc) =	sbr.rel @p0 .LBB2_2-.Ltmp2, $4  }
0x1ea: {  	v3 =	vsel vm12, v3, v62  }
0x1eb: {  	v63, _, _ =	vpop (xrf2);
	v3 =	vsel vm13, v3, v5  }
0x1ec: {  	s0 =	sadd.s32 $0x10, s19;
	v3 =	vsel vm14, v3, v63  }
0x1ed: {  	s1 =	sadd.s32 $0x80, s1;
	s3 =	simm.s32 $0x3;
	[tilespmem:s0+$0x0] =	vst v3  }
0x1ee: {  	s0 =	rddreg [dreg:$0x10];
	s1 =	simm.s32 $0x8300  }
0x1ef: {  	[hbm4b:s0+s13] =	stream.linear.scatter [tilespmem:s1], [sflag:$0x3], $0x200, $0x38;
	[tilespmem:$0x8500] =	vst v63  }
0x1f0: {  	_ =	swait.ge [sflag:s3], $0x200  }
0x1f1: {  	s30 =	rddreg [dreg:$0x12]  }
0x1f2: {  	s31 =	rddreg [dreg:$0x11];
	s1 =	sadd.s32 $0x1, s30  }
0x1f3: {  	p0 =	sne.s32 s1, s31  }
.Ltmp3:
0x1f4: {  	_ = 	snop;
	(pc) =	sbr.rel @p0 .LBB2_1-.Ltmp3, $3  }
0x1f5: {  	_ =	sdelay $0x1  }
0x1f6: {  	[sflag:s3] =	ssyncset.done $0x0  }
0x1f7: {  	[sflag:s3] =	ssyncadd.s32 $0xFFFFFE00  }
0x1f8: {  	_ =	sfence.sel $0x180000  }
0x1f9: {  	[bflag:$0x0] =	sbarrier.arrive $0xFFFF  }
0x1fa: {  	_ =	strace $0x90000047  }
0x1fb: {  	s0 =	stileid.u32;
	[bflag:$0x2] =	sbarrier.arrive $0xFFFF  }
0x1fc: {  	p0 =	sne.s32 s0, $0x0;
	s0 =	rddreg [dreg:$0x4]  }
0x1fd: {  	s0 =	sadd.s32 @!p0 $0x100000, s0  }
0x1fe: {  	[sflag:s0] =	ssyncadd.tile.s32 @!p0 $0x1;
	_ =	shalt  }
.Lfunc_end2:
_tile_overlayer_lowered:
.L_overlay_start_2:
0x1ff: {  	(tag) =	ssettag $0x2  }
0x200: {  	s0 =	rddreg [dreg:$0x0];
	s2 =	stileid.u32  }
0x201: {  	s1 =	rddreg [dreg:$0x1];
	p0 =	sne.s32 s2, $0x0  }
0x202: {  	s3 =	rddreg [dreg:$0x2];
	[bflag:$0x3] =	sbarrier.arrive $0xFFFF;
	s2 =	simm.s32 @!p0 $0x1C03  }
0x203: {  	[timem:s3], [sflag:s2] =	dma.local @!p0 [hbm:s0], s1  }
0x204: {  	s0 =	simm.s32 @!p0 $0x3  }
0x205: {  	_ =	swait.ge @!p0 [sflag:s0], s1  }
0x206: {  	s1 =	ssub.s32 @!p0 $0x0, s1;
	[sflag:s0] =	ssyncset.done @!p0 $0x0  }
0x207: {  	[sflag:s0] =	ssyncadd.s32 @!p0 s1  }
0x208: {  	[bflag:$0x3] =	sbarrier.arrive $0xFFFF  }
0x209: {  	_ =	shalt  }

</sc_bundles>
